<compile_context>
chip_gen: v7x
topology: tpu7x:2x2x1
jax: 0.10.2.dev20260603
libtpu: 0.0.44.dev20260713+nightly
codegen_flags: <defaults>
</compile_context>

<pallas_src>
import functools

import jax
import jax.numpy as jnp
from jax import lax
from jax.experimental import pallas as pl
from jax.experimental.pallas import tpu as pltpu
from jax.experimental.pallas import tpu_sc as plsc

_N = 50000
_E = 1600000
_NW = 32
_NBT = _E // 128
_BPC = 16
_CE = _BPC * 128
_MAIN = 24
_TAIL = 6
_XTRA = _NBT - 390 * _NW
_DT = 30.0
_NG = 16.0


def _sc_scatter_build():
    mesh = plsc.VectorSubcoreMesh(core_axis_name="c", subcore_axis_name="s")

    @functools.partial(
        pl.kernel,
        mesh=mesh,
        out_type=jax.ShapeDtypeStruct((_NW, _N), jnp.float32),
        compiler_params=pltpu.CompilerParams(needs_layout_passes=False),
        scratch_types=[
            pltpu.VMEM((_N,), jnp.float32),
            pltpu.VMEM((2, _CE), jnp.int32),
            pltpu.VMEM((2, _CE), jnp.float32),
            pltpu.VMEM((2, _CE), jnp.int32),
            pltpu.VMEM((2, _CE), jnp.float32),
            pltpu.VMEM((32,), jnp.float32),
            pltpu.SemaphoreType.DMA,
            pltpu.SemaphoreType.DMA,
        ],
    )
    def sc_scatter(ei_hbm, ef_hbm, cst_hbm, out_hbm,
                   acc, iv0, fv0, iv1, fv1, cstv, sem0, sem1):
        wid = lax.axis_index("s") * 2 + lax.axis_index("c")
        start_burst = 390 * wid + jnp.minimum(wid, _XTRA)
        pltpu.sync_copy(cst_hbm, cstv)
        scale = cstv[pl.ds(0, 16)]
        mean = cstv[pl.ds(16, 16)]
        zero = jnp.zeros((16,), jnp.float32)

        def zbody(i, carry):
            acc[pl.ds(i * 16, 16)] = zero
            return carry

        lax.fori_loop(0, _N // 16, zbody, 0, unroll=8)

        def start_main(ci, iv, fv, sem):
            off = (start_burst + ci * _BPC) * 128
            pltpu.async_copy(ei_hbm.at[:, pl.ds(off, _CE)], iv, sem)
            pltpu.async_copy(ef_hbm.at[:, pl.ds(off, _CE)], fv, sem)

        def drain(iv, fv, sem):
            pltpu.make_async_copy(ei_hbm.at[:, pl.ds(0, _CE)], iv, sem).wait()
            pltpu.make_async_copy(ef_hbm.at[:, pl.ds(0, _CE)], fv, sem).wait()

        def scat(iv, fv, iters, carry):
            def ebody(i, c2):
                sl = pl.ds(i * 16, 16)
                f = fv[0, sl] * scale + mean
                plsc.addupdate_scatter(acc, [iv[1, sl]], f)
                plsc.addupdate_scatter(acc, [iv[0, sl]], -f)
                return c2

            return lax.fori_loop(0, iters, ebody, carry, unroll=8)

        start_main(0, iv0, fv0, sem0)

        def pair(pi, carry):
            start_main(2 * pi + 1, iv1, fv1, sem1)
            drain(iv0, fv0, sem0)
            carry = scat(iv0, fv0, _CE // 16, carry)

            @pl.when(2 * pi + 2 < _MAIN)
            def _():
                start_main(2 * pi + 2, iv0, fv0, sem0)

            drain(iv1, fv1, sem1)
            carry = scat(iv1, fv1, _CE // 16, carry)
            return carry

        carry = lax.fori_loop(0, _MAIN // 2, pair, 0)

        off_a = (start_burst + _MAIN * _BPC) * 128
        na = _TAIL * 128
        pltpu.sync_copy(ei_hbm.at[:, pl.ds(off_a, na)], iv0.at[:, pl.ds(0, na)])
        pltpu.sync_copy(ef_hbm.at[:, pl.ds(off_a, na)], fv0.at[:, pl.ds(0, na)])
        carry = scat(iv0, fv0, na // 16, carry)

        @pl.when(wid < _XTRA)
        def _():
            off_b = (start_burst + _MAIN * _BPC + _TAIL) * 128
            pltpu.sync_copy(ei_hbm.at[:, pl.ds(off_b, 128)], iv1.at[:, pl.ds(0, 128)])
            pltpu.sync_copy(ef_hbm.at[:, pl.ds(off_b, 128)], fv1.at[:, pl.ds(0, 128)])
            scat(iv1, fv1, 128 // 16, 0)

        pltpu.sync_copy(acc, out_hbm.at[wid])

    return sc_scatter


@functools.cache
def _sc_scatter():
    return _sc_scatter_build()


def _fin_body(part_ref, pred_ref, in_ref, rain_ref, mask_ref, std_ref, out_ref):
    net = jnp.sum(part_ref[...], axis=0)
    d = (pred_ref[0] - in_ref[0]) * std_ref[0]
    err = d - _DT * net - rain_ref[...]
    tot = jnp.sum(mask_ref[...] * jnp.abs(err))
    out_ref[...] = (tot / _NG).reshape(1, 1)


def _finalize(partials, pred_t, in_t, rain, maskf, std):
    return pl.pallas_call(
        _fin_body,
        out_shape=jax.ShapeDtypeStruct((1, 1), jnp.float32),
    )(partials, pred_t, in_t, rain, maskf, std)


def kernel(batch_node_pred, batch_node_input, batch_edge_input, rainfall,
           node_mean, node_std, edge_mean, edge_std,
           edge_index, batch, node_filter_mask):
    cst = jnp.concatenate([
        jnp.broadcast_to(edge_std[0], (16,)),
        jnp.broadcast_to(edge_mean[0], (16,)),
    ]).astype(jnp.float32)
    ef = lax.transpose(batch_edge_input, (1, 0))
    partials = _sc_scatter()(edge_index, ef, cst)

    pred_t = lax.transpose(batch_node_pred, (1, 0))
    in_t = lax.transpose(batch_node_input, (1, 0))
    maskf = node_filter_mask.astype(jnp.float32)
    std = node_std[0].reshape(1)
    loss = _finalize(partials, pred_t, in_t, rainfall, maskf, std)
    return loss[0, 0]

# --- scband reference (transcript-rebuilt; emitter-appended) ---
"""Pipeline reference for scband-local-mass-conservation-loss-40029095199211 (READ-ONLY COPY).

The authoritative reference and input builder live on the scoring server;
editing this copy changes nothing except your own understanding.
"""

import jax, jax.numpy as jnp
import numpy as np

N = 50000
E = 1600000
NUM_GRAPHS = 16
DELTA_T = 30


def get_orig_water_volume(x, mean, std, mask):
    # denormalize (is_normalized=True) and extract water-volume channel 0
    x = x * std + mean
    vol = x[:, 0]
    return jnp.where(mask, vol, 0.0)


def get_orig_water_flow(e, mean, std):
    e = e * std + mean
    return e[:, 0]


def setup_inputs(seed: int = 0) -> dict:
    key = jax.random.key(seed)
    ks = jax.random.split(key, 10)
    batch_node_pred = jax.random.normal(ks[0], (N, 3), dtype=jnp.float32)
    batch_node_input = jax.random.normal(ks[1], (N, 3), dtype=jnp.float32)
    batch_edge_input = jax.random.normal(ks[2], (E, 2), dtype=jnp.float32)
    rainfall = jax.random.uniform(ks[3], (N,), dtype=jnp.float32)
    edge_index = jax.random.randint(ks[4], (2, E), 0, N, dtype=jnp.int32)
    batch = jnp.sort(jax.random.randint(ks[5], (N,), 0, NUM_GRAPHS, dtype=jnp.int32))
    node_filter_mask = jax.random.randint(ks[6], (N,), 0, 2, dtype=jnp.int32).astype(bool)
    # normalizer statistics (learned dataset stats)
    node_mean = jax.random.normal(ks[7], (3,), dtype=jnp.float32) * 0.1
    node_std = jax.random.uniform(ks[8], (3,), dtype=jnp.float32) + 0.5
    edge_mean = jax.random.normal(ks[9], (2,), dtype=jnp.float32) * 0.1
    edge_std = jnp.ones((2,), dtype=jnp.float32)
    return {
        'batch_node_pred': batch_node_pred,
        'batch_node_input': batch_node_input,
        'batch_edge_input': batch_edge_input,
        'rainfall': rainfall,
        'node_mean': node_mean,
        'node_std': node_std,
        'edge_mean': edge_mean,
        'edge_std': edge_std,
        'edge_index': edge_index,
        'batch': batch,
        'node_filter_mask': node_filter_mask,
    }


def reference(batch_node_pred, batch_node_input, batch_edge_input, rainfall,
              node_mean, node_std, edge_mean, edge_std,
              edge_index, batch, node_filter_mask):
    curr_water_volume = get_orig_water_volume(batch_node_input, node_mean, node_std, node_filter_mask)
    next_water_volume = get_orig_water_volume(batch_node_pred, node_mean, node_std, node_filter_mask)
    water_flow = get_orig_water_flow(batch_edge_input, edge_mean, edge_std)

    # get_batch_inflow_outflow: symmetrize edges with signed flow, relu, scatter-add
    row, col = edge_index[0], edge_index[1]
    row2 = jnp.concatenate([row, col], axis=0)
    col2 = jnp.concatenate([col, row], axis=0)
    face_flow = jnp.concatenate([water_flow, -water_flow], axis=0)
    face_flow = jax.nn.relu(face_flow)
    total_inflow = jnp.where(node_filter_mask, jax.ops.segment_sum(face_flow, col2, num_segments=N), 0.0)
    total_outflow = jnp.where(node_filter_mask, jax.ops.segment_sum(face_flow, row2, num_segments=N), 0.0)

    rf_volume = jnp.where(node_filter_mask, rainfall, 0.0)
    delta_v = next_water_volume - curr_water_volume
    inflow_volume = total_inflow * DELTA_T
    outflow_volume = total_outflow * DELTA_T
    local_volume_error = delta_v - inflow_volume + outflow_volume - rf_volume
    # mode == 'train'
    local_volume_error = jnp.where(node_filter_mask, jnp.abs(local_volume_error), 0.0)
    total_local_volume_error = jax.ops.segment_sum(local_volume_error, batch, num_segments=NUM_GRAPHS)
    local_loss = total_local_volume_error.mean()
    return local_loss

if __name__ == "__main__":
    import jax
    _d = setup_inputs()
    print(jax.jit(kernel)(*tuple(_d.values())))

</pallas_src>

<mosaic_0001>
#map = affine_map<(d0, d1) -> (0, 0)>
#map1 = affine_map<(d0, d1) -> (0)>
module attributes {stable_mosaic.version = 14 : i64} {
  func.func @sc_scatter(%arg0: i32, %arg1: i32, %arg2: memref<2x1600000xi32, #tpu.memory_space<hbm>>, %arg3: memref<2x1600000xf32, #tpu.memory_space<hbm>>, %arg4: memref<32xf32, #tpu.memory_space<hbm>>, %arg5: memref<32x50000xf32, #tpu.memory_space<hbm>>, %arg6: memref<50000xf32, #tpu.memory_space<vmem>>, %arg7: memref<2x2048xi32, #tpu.memory_space<vmem>>, %arg8: memref<2x2048xf32, #tpu.memory_space<vmem>>, %arg9: memref<2x2048xi32, #tpu.memory_space<vmem>>, %arg10: memref<2x2048xf32, #tpu.memory_space<vmem>>, %arg11: memref<32xf32, #tpu.memory_space<vmem>>, %arg12: memref<!tpu.dma_semaphore, #tpu.memory_space<semaphore_mem>>, %arg13: memref<!tpu.dma_semaphore, #tpu.memory_space<semaphore_mem>>) attributes {dimension_semantics = [#tpu.dimension_semantics<core_parallel>, #tpu.dimension_semantics<subcore_parallel>], iteration_bounds = array<i64: 2, 16>, scalar_prefetch = 0 : i64, scratch_operands = 8 : i64, tpu.core_type = #tpu.core_type<sc_vector_subcore>, window_params = [{transform_indices = #map}, {transform_indices = #map}, {transform_indices = #map1}, {transform_indices = #map}]} {
    %mul3A = arith.constant 2 : i32
    %mul3A_0 = arith.muli %arg1, %mul3A : i32
    %add3A = arith.addi %mul3A_0, %arg0 : i32
    %mul3A_1 = arith.constant 390 : i32
    %mul3A_2 = arith.muli %mul3A_1, %add3A : i32
    %min3A = arith.constant 20 : i32
    %min3A_3 = arith.minsi %add3A, %min3A : i32
    %add3A_4 = arith.addi %mul3A_2, %min3A_3 : i32
    "tpu.region"() ({
      %run_scoped3A = tpu.sem_alloc : memref<!tpu.dma_semaphore, #tpu.memory_space<semaphore_mem>>
      tpu.enqueue_dma source(%arg4 : memref<32xf32, #tpu.memory_space<hbm>>) target(%arg11 : memref<32xf32, #tpu.memory_space<vmem>>) target_semaphore(%run_scoped3A : memref<!tpu.dma_semaphore, #tpu.memory_space<semaphore_mem>>)
      tpu.wait_dma2 semaphore(%run_scoped3A : memref<!tpu.dma_semaphore, #tpu.memory_space<semaphore_mem>>) src(%arg4 : memref<32xf32, #tpu.memory_space<hbm>>) dst(%arg11 : memref<32xf32, #tpu.memory_space<vmem>>)
      tpu.yield
    }) : () -> ()
    %get3A = arith.constant 0 : index
    %get3A_5 = tpu.vector_load %arg11[%get3A] {strides = array<i32>} : memref<32xf32, #tpu.memory_space<vmem>>, vector<16xf32>,
    %get3A_6 = arith.constant 16 : index
    %get3A_7 = tpu.vector_load %arg11[%get3A_6] {strides = array<i32>} : memref<32xf32, #tpu.memory_space<vmem>>, vector<16xf32>,
    %broadcast_in_dim3A = arith.constant 0.000000e+00 : f32
    %broadcast_in_dim3A_8 = vector.broadcast %broadcast_in_dim3A : f32 to vector<16xf32>
    %scan3A = arith.constant 0 : i32
    %scan3A_9 = arith.constant 0 : i32
    %scan3A_10 = arith.constant 3120 : i32
    %scan3A_11 = arith.addi %scan3A_9, %scan3A_10 : i32
    %scan3A_12 = arith.constant 8 : i32
    scf.for %scan3A_72 = %scan3A_9 to %scan3A_11 step %scan3A_12  : i32 {
      %mul3A_73 = arith.constant 16 : i32
      %mul3A_74 = arith.muli %scan3A_72, %mul3A_73 : i32
      %swap3A_75 = arith.index_cast %mul3A_74 : i32 to index
      %swap3A_76 = tpu.vector_load %arg6[%swap3A_75] {strides = array<i32>} : memref<50000xf32, #tpu.memory_space<vmem>>, vector<16xf32>,
      tpu.vector_store %arg6[%swap3A_75], %broadcast_in_dim3A_8 {strides = array<i32>} : memref<50000xf32, #tpu.memory_space<vmem>>, vector<16xf32>,
      %scan3A_77 = arith.constant 1 : i32
      %scan3A_78 = arith.addi %scan3A_72, %scan3A_77 : i32
      %mul3A_79 = arith.constant 16 : i32
      %mul3A_80 = arith.muli %scan3A_78, %mul3A_79 : i32
      %swap3A_81 = arith.index_cast %mul3A_80 : i32 to index
      %swap3A_82 = tpu.vector_load %arg6[%swap3A_81] {strides = array<i32>} : memref<50000xf32, #tpu.memory_space<vmem>>, vector<16xf32>,
      tpu.vector_store %arg6[%swap3A_81], %broadcast_in_dim3A_8 {strides = array<i32>} : memref<50000xf32, #tpu.memory_space<vmem>>, vector<16xf32>,
      %scan3A_83 = arith.constant 2 : i32
      %scan3A_84 = arith.addi %scan3A_72, %scan3A_83 : i32
      %mul3A_85 = arith.constant 16 : i32
      %mul3A_86 = arith.muli %scan3A_84, %mul3A_85 : i32
      %swap3A_87 = arith.index_cast %mul3A_86 : i32 to index
      %swap3A_88 = tpu.vector_load %arg6[%swap3A_87] {strides = array<i32>} : memref<50000xf32, #tpu.memory_space<vmem>>, vector<16xf32>,
      tpu.vector_store %arg6[%swap3A_87], %broadcast_in_dim3A_8 {strides = array<i32>} : memref<50000xf32, #tpu.memory_space<vmem>>, vector<16xf32>,
      %scan3A_89 = arith.constant 3 : i32
      %scan3A_90 = arith.addi %scan3A_72, %scan3A_89 : i32
      %mul3A_91 = arith.constant 16 : i32
      %mul3A_92 = arith.muli %scan3A_90, %mul3A_91 : i32
      %swap3A_93 = arith.index_cast %mul3A_92 : i32 to index
      %swap3A_94 = tpu.vector_load %arg6[%swap3A_93] {strides = array<i32>} : memref<50000xf32, #tpu.memory_space<vmem>>, vector<16xf32>,
      tpu.vector_store %arg6[%swap3A_93], %broadcast_in_dim3A_8 {strides = array<i32>} : memref<50000xf32, #tpu.memory_space<vmem>>, vector<16xf32>,
      %scan3A_95 = arith.constant 4 : i32
      %scan3A_96 = arith.addi %scan3A_72, %scan3A_95 : i32
      %mul3A_97 = arith.constant 16 : i32
      %mul3A_98 = arith.muli %scan3A_96, %mul3A_97 : i32
      %swap3A_99 = arith.index_cast %mul3A_98 : i32 to index
      %swap3A_100 = tpu.vector_load %arg6[%swap3A_99] {strides = array<i32>} : memref<50000xf32, #tpu.memory_space<vmem>>, vector<16xf32>,
      tpu.vector_store %arg6[%swap3A_99], %broadcast_in_dim3A_8 {strides = array<i32>} : memref<50000xf32, #tpu.memory_space<vmem>>, vector<16xf32>,
      %scan3A_101 = arith.constant 5 : i32
      %scan3A_102 = arith.addi %scan3A_72, %scan3A_101 : i32
      %mul3A_103 = arith.constant 16 : i32
      %mul3A_104 = arith.muli %scan3A_102, %mul3A_103 : i32
      %swap3A_105 = arith.index_cast %mul3A_104 : i32 to index
      %swap3A_106 = tpu.vector_load %arg6[%swap3A_105] {strides = array<i32>} : memref<50000xf32, #tpu.memory_space<vmem>>, vector<16xf32>,
      tpu.vector_store %arg6[%swap3A_105], %broadcast_in_dim3A_8 {strides = array<i32>} : memref<50000xf32, #tpu.memory_space<vmem>>, vector<16xf32>,
      %scan3A_107 = arith.constant 6 : i32
      %scan3A_108 = arith.addi %scan3A_72, %scan3A_107 : i32
      %mul3A_109 = arith.constant 16 : i32
      %mul3A_110 = arith.muli %scan3A_108, %mul3A_109 : i32
      %swap3A_111 = arith.index_cast %mul3A_110 : i32 to index
      %swap3A_112 = tpu.vector_load %arg6[%swap3A_111] {strides = array<i32>} : memref<50000xf32, #tpu.memory_space<vmem>>, vector<16xf32>,
      tpu.vector_store %arg6[%swap3A_111], %broadcast_in_dim3A_8 {strides = array<i32>} : memref<50000xf32, #tpu.memory_space<vmem>>, vector<16xf32>,
      %scan3A_113 = arith.constant 7 : i32
      %scan3A_114 = arith.addi %scan3A_72, %scan3A_113 : i32
      %mul3A_115 = arith.constant 16 : i32
      %mul3A_116 = arith.muli %scan3A_114, %mul3A_115 : i32
      %swap3A_117 = arith.index_cast %mul3A_116 : i32 to index
      %swap3A_118 = tpu.vector_load %arg6[%swap3A_117] {strides = array<i32>} : memref<50000xf32, #tpu.memory_space<vmem>>, vector<16xf32>,
      tpu.vector_store %arg6[%swap3A_117], %broadcast_in_dim3A_8 {strides = array<i32>} : memref<50000xf32, #tpu.memory_space<vmem>>, vector<16xf32>,
    }
    %scan3A_13 = arith.constant 3120 : i32
    %scan3A_14 = arith.addi %scan3A_9, %scan3A_13 : i32
    %mul3A_15 = arith.constant 16 : i32
    %mul3A_16 = arith.muli %scan3A_14, %mul3A_15 : i32
    %swap3A = arith.index_cast %mul3A_16 : i32 to index
    %swap3A_17 = tpu.vector_load %arg6[%swap3A] {strides = array<i32>} : memref<50000xf32, #tpu.memory_space<vmem>>, vector<16xf32>,
    tpu.vector_store %arg6[%swap3A], %broadcast_in_dim3A_8 {strides = array<i32>} : memref<50000xf32, #tpu.memory_space<vmem>>, vector<16xf32>,
    %scan3A_18 = arith.constant 3121 : i32
    %scan3A_19 = arith.addi %scan3A_9, %scan3A_18 : i32
    %mul3A_20 = arith.constant 16 : i32
    %mul3A_21 = arith.muli %scan3A_19, %mul3A_20 : i32
    %swap3A_22 = arith.index_cast %mul3A_21 : i32 to index
    %swap3A_23 = tpu.vector_load %arg6[%swap3A_22] {strides = array<i32>} : memref<50000xf32, #tpu.memory_space<vmem>>, vector<16xf32>,
    tpu.vector_store %arg6[%swap3A_22], %broadcast_in_dim3A_8 {strides = array<i32>} : memref<50000xf32, #tpu.memory_space<vmem>>, vector<16xf32>,
    %scan3A_24 = arith.constant 3122 : i32
    %scan3A_25 = arith.addi %scan3A_9, %scan3A_24 : i32
    %mul3A_26 = arith.constant 16 : i32
    %mul3A_27 = arith.muli %scan3A_25, %mul3A_26 : i32
    %swap3A_28 = arith.index_cast %mul3A_27 : i32 to index
    %swap3A_29 = tpu.vector_load %arg6[%swap3A_28] {strides = array<i32>} : memref<50000xf32, #tpu.memory_space<vmem>>, vector<16xf32>,
    tpu.vector_store %arg6[%swap3A_28], %broadcast_in_dim3A_8 {strides = array<i32>} : memref<50000xf32, #tpu.memory_space<vmem>>, vector<16xf32>,
    %scan3A_30 = arith.constant 3123 : i32
    %scan3A_31 = arith.addi %scan3A_9, %scan3A_30 : i32
    %mul3A_32 = arith.constant 16 : i32
    %mul3A_33 = arith.muli %scan3A_31, %mul3A_32 : i32
    %swap3A_34 = arith.index_cast %mul3A_33 : i32 to index
    %swap3A_35 = tpu.vector_load %arg6[%swap3A_34] {strides = array<i32>} : memref<50000xf32, #tpu.memory_space<vmem>>, vector<16xf32>,
    tpu.vector_store %arg6[%swap3A_34], %broadcast_in_dim3A_8 {strides = array<i32>} : memref<50000xf32, #tpu.memory_space<vmem>>, vector<16xf32>,
    %scan3A_36 = arith.constant 3124 : i32
    %scan3A_37 = arith.addi %scan3A_9, %scan3A_36 : i32
    %mul3A_38 = arith.constant 16 : i32
    %mul3A_39 = arith.muli %scan3A_37, %mul3A_38 : i32
    %swap3A_40 = arith.index_cast %mul3A_39 : i32 to index
    %swap3A_41 = tpu.vector_load %arg6[%swap3A_40] {strides = array<i32>} : memref<50000xf32, #tpu.memory_space<vmem>>, vector<16xf32>,
    tpu.vector_store %arg6[%swap3A_40], %broadcast_in_dim3A_8 {strides = array<i32>} : memref<50000xf32, #tpu.memory_space<vmem>>, vector<16xf32>,
    %scan3A_42 = arith.constant 3125 : i32
    %add3A_43 = arith.constant 0 : i32
    %add3A_44 = arith.addi %add3A_4, %add3A_43 : i32
    %mul3A_45 = arith.constant 128 : i32
    %mul3A_46 = arith.muli %add3A_44, %mul3A_45 : i32
    %dma_start3A = arith.constant 0 : i32
    %dma_start3A_47 = tpu.memref_slice %arg2[%dma_start3A, %mul3A_46] : memref<2x1600000xi32, #tpu.memory_space<hbm>> -> memref<2x2048xi32, #tpu.memory_space<hbm>>
    %dma_start3A_48 = arith.constant 0 : i32
    %dma_start3A_49 = tpu.memref_slice %arg2[%dma_start3A_48, %mul3A_46] : memref<2x1600000xi32, #tpu.memory_space<hbm>> -> memref<2x2048xi32, #tpu.memory_space<hbm>>
    tpu.enqueue_dma source(%dma_start3A_49 : memref<2x2048xi32, #tpu.memory_space<hbm>>) target(%arg7 : memref<2x2048xi32, #tpu.memory_space<vmem>>) target_semaphore(%arg12 : memref<!tpu.dma_semaphore, #tpu.memory_space<semaphore_mem>>)
    %dma_start3A_50 = arith.constant 0 : i32
    %dma_start3A_51 = tpu.memref_slice %arg3[%dma_start3A_50, %mul3A_46] : memref<2x1600000xf32, #tpu.memory_space<hbm>> -> memref<2x2048xf32, #tpu.memory_space<hbm>>
    %dma_start3A_52 = arith.constant 0 : i32
    %dma_start3A_53 = tpu.memref_slice %arg3[%dma_start3A_52, %mul3A_46] : memref<2x1600000xf32, #tpu.memory_space<hbm>> -> memref<2x2048xf32, #tpu.memory_space<hbm>>
    tpu.enqueue_dma source(%dma_start3A_53 : memref<2x2048xf32, #tpu.memory_space<hbm>>) target(%arg8 : memref<2x2048xf32, #tpu.memory_space<vmem>>) target_semaphore(%arg12 : memref<!tpu.dma_semaphore, #tpu.memory_space<semaphore_mem>>)
    %scan3A_54 = arith.constant 0 : i32
    %scan3A_55 = arith.constant 0 : i32
    %scan3A_56 = arith.constant 12 : i32
    %scan3A_57 = arith.addi %scan3A_55, %scan3A_56 : i32
    %scan3A_58 = arith.constant 1 : i32
    scf.for %scan3A_72 = %scan3A_55 to %scan3A_57 step %scan3A_58  : i32 {
      %mul3A_73 = arith.constant 2 : i32
      %mul3A_74 = arith.muli %mul3A_73, %scan3A_72 : i32
      %add3A_75 = arith.constant 1 : i32
      %add3A_76 = arith.addi %mul3A_74, %add3A_75 : i32
      %mul3A_77 = arith.constant 16 : i32
      %mul3A_78 = arith.muli %add3A_76, %mul3A_77 : i32
      %add3A_79 = arith.addi %add3A_4, %mul3A_78 : i32
      %mul3A_80 = arith.constant 128 : i32
      %mul3A_81 = arith.muli %add3A_79, %mul3A_80 : i32
      %dma_start3A_82 = arith.constant 0 : i32
      %dma_start3A_83 = tpu.memref_slice %arg2[%dma_start3A_82, %mul3A_81] : memref<2x1600000xi32, #tpu.memory_space<hbm>> -> memref<2x2048xi32, #tpu.memory_space<hbm>>
      %dma_start3A_84 = arith.constant 0 : i32
      %dma_start3A_85 = tpu.memref_slice %arg2[%dma_start3A_84, %mul3A_81] : memref<2x1600000xi32, #tpu.memory_space<hbm>> -> memref<2x2048xi32, #tpu.memory_space<hbm>>
      tpu.enqueue_dma source(%dma_start3A_85 : memref<2x2048xi32, #tpu.memory_space<hbm>>) target(%arg9 : memref<2x2048xi32, #tpu.memory_space<vmem>>) target_semaphore(%arg13 : memref<!tpu.dma_semaphore, #tpu.memory_space<semaphore_mem>>)
      %dma_start3A_86 = arith.constant 0 : i32
      %dma_start3A_87 = tpu.memref_slice %arg3[%dma_start3A_86, %mul3A_81] : memref<2x1600000xf32, #tpu.memory_space<hbm>> -> memref<2x2048xf32, #tpu.memory_space<hbm>>
      %dma_start3A_88 = arith.constant 0 : i32
      %dma_start3A_89 = tpu.memref_slice %arg3[%dma_start3A_88, %mul3A_81] : memref<2x1600000xf32, #tpu.memory_space<hbm>> -> memref<2x2048xf32, #tpu.memory_space<hbm>>
      tpu.enqueue_dma source(%dma_start3A_89 : memref<2x2048xf32, #tpu.memory_space<hbm>>) target(%arg10 : memref<2x2048xf32, #tpu.memory_space<vmem>>) target_semaphore(%arg13 : memref<!tpu.dma_semaphore, #tpu.memory_space<semaphore_mem>>)
      %dma_wait3A = arith.constant 0 : i32
      %dma_wait3A_90 = arith.constant 0 : i32
      %dma_wait3A_91 = tpu.memref_slice %arg2[%dma_wait3A, %dma_wait3A_90] : memref<2x1600000xi32, #tpu.memory_space<hbm>> -> memref<2x2048xi32, #tpu.memory_space<hbm>>
      %dma_wait3A_92 = arith.constant 0 : i32
      %dma_wait3A_93 = arith.constant 0 : i32
      %dma_wait3A_94 = tpu.memref_slice %arg2[%dma_wait3A_92, %dma_wait3A_93] : memref<2x1600000xi32, #tpu.memory_space<hbm>> -> memref<2x2048xi32, #tpu.memory_space<hbm>>
      tpu.wait_dma2 semaphore(%arg12 : memref<!tpu.dma_semaphore, #tpu.memory_space<semaphore_mem>>) src(%dma_wait3A_94 : memref<2x2048xi32, #tpu.memory_space<hbm>>) dst(%arg7 : memref<2x2048xi32, #tpu.memory_space<vmem>>)
      %dma_wait3A_95 = arith.constant 0 : i32
      %dma_wait3A_96 = arith.constant 0 : i32
      %dma_wait3A_97 = tpu.memref_slice %arg3[%dma_wait3A_95, %dma_wait3A_96] : memref<2x1600000xf32, #tpu.memory_space<hbm>> -> memref<2x2048xf32, #tpu.memory_space<hbm>>
      %dma_wait3A_98 = arith.constant 0 : i32
      %dma_wait3A_99 = arith.constant 0 : i32
      %dma_wait3A_100 = tpu.memref_slice %arg3[%dma_wait3A_98, %dma_wait3A_99] : memref<2x1600000xf32, #tpu.memory_space<hbm>> -> memref<2x2048xf32, #tpu.memory_space<hbm>>
      tpu.wait_dma2 semaphore(%arg12 : memref<!tpu.dma_semaphore, #tpu.memory_space<semaphore_mem>>) src(%dma_wait3A_100 : memref<2x2048xf32, #tpu.memory_space<hbm>>) dst(%arg8 : memref<2x2048xf32, #tpu.memory_space<vmem>>)
      %scan3A_101 = arith.constant 0 : i32
      %scan3A_102 = arith.constant 128 : i32
      %scan3A_103 = arith.addi %scan3A_101, %scan3A_102 : i32
      %scan3A_104 = arith.constant 8 : i32
      scf.for %scan3A_132 = %scan3A_101 to %scan3A_103 step %scan3A_104  : i32 {
        %mul3A_133 = arith.constant 16 : i32
        %mul3A_134 = arith.muli %scan3A_132, %mul3A_133 : i32
        %get3A_135 = arith.constant 0 : i32
        %get3A_136 = arith.index_cast %get3A_135 : i32 to index
        %get3A_137 = arith.index_cast %mul3A_134 : i32 to index
        %get3A_138 = tpu.vector_load %arg8[%get3A_136, %get3A_137] {strides = array<i32>} : memref<2x2048xf32, #tpu.memory_space<vmem>>, vector<16xf32>,
        %mul3A_139 = arith.mulf %get3A_138, %get3A_5 : vector<16xf32>
        %add3A_140 = arith.addf %mul3A_139, %get3A_7 : vector<16xf32>
        %get3A_141 = arith.constant 1 : i32
        %get3A_142 = arith.index_cast %get3A_141 : i32 to index
        %get3A_143 = arith.index_cast %mul3A_134 : i32 to index
        %get3A_144 = tpu.vector_load %arg7[%get3A_142, %get3A_143] {strides = array<i32>} : memref<2x2048xi32, #tpu.memory_space<vmem>>, vector<16xi32>,
        tpu.vector_store_idx %arg6[%get3A_144], %add3A_140 {add = true} : memref<50000xf32, #tpu.memory_space<vmem>>[vector<16xi32>], vector<16xf32>,
        %get3A_145 = arith.constant 0 : i32
        %get3A_146 = arith.index_cast %get3A_145 : i32 to index
        %get3A_147 = arith.index_cast %mul3A_134 : i32 to index
        %get3A_148 = tpu.vector_load %arg7[%get3A_146, %get3A_147] {strides = array<i32>} : memref<2x2048xi32, #tpu.memory_space<vmem>>, vector<16xi32>,
        %neg3A = arith.constant 0.000000e+00 : f32
        %neg3A_149 = vector.broadcast %neg3A : f32 to vector<16xf32>
        %neg3A_150 = arith.subf %neg3A_149, %add3A_140 : vector<16xf32>
        tpu.vector_store_idx %arg6[%get3A_148], %neg3A_150 {add = true} : memref<50000xf32, #tpu.memory_space<vmem>>[vector<16xi32>], vector<16xf32>,
        %scan3A_151 = arith.constant 1 : i32
        %scan3A_152 = arith.addi %scan3A_132, %scan3A_151 : i32
        %mul3A_153 = arith.constant 16 : i32
        %mul3A_154 = arith.muli %scan3A_152, %mul3A_153 : i32
        %get3A_155 = arith.constant 0 : i32
        %get3A_156 = arith.index_cast %get3A_155 : i32 to index
        %get3A_157 = arith.index_cast %mul3A_154 : i32 to index
        %get3A_158 = tpu.vector_load %arg8[%get3A_156, %get3A_157] {strides = array<i32>} : memref<2x2048xf32, #tpu.memory_space<vmem>>, vector<16xf32>,
        %mul3A_159 = arith.mulf %get3A_158, %get3A_5 : vector<16xf32>
        %add3A_160 = arith.addf %mul3A_159, %get3A_7 : vector<16xf32>
        %get3A_161 = arith.constant 1 : i32
        %get3A_162 = arith.index_cast %get3A_161 : i32 to index
        %get3A_163 = arith.index_cast %mul3A_154 : i32 to index
        %get3A_164 = tpu.vector_load %arg7[%get3A_162, %get3A_163] {strides = array<i32>} : memref<2x2048xi32, #tpu.memory_space<vmem>>, vector<16xi32>,
        tpu.vector_store_idx %arg6[%get3A_164], %add3A_160 {add = true} : memref<50000xf32, #tpu.memory_space<vmem>>[vector<16xi32>], vector<16xf32>,
        %get3A_165 = arith.constant 0 : i32
        %get3A_166 = arith.index_cast %get3A_165 : i32 to index
        %get3A_167 = arith.index_cast %mul3A_154 : i32 to index
        %get3A_168 = tpu.vector_load %arg7[%get3A_166, %get3A_167] {strides = array<i32>} : memref<2x2048xi32, #tpu.memory_space<vmem>>, vector<16xi32>,
        %neg3A_169 = arith.constant 0.000000e+00 : f32
        %neg3A_170 = vector.broadcast %neg3A_169 : f32 to vector<16xf32>
        %neg3A_171 = arith.subf %neg3A_170, %add3A_160 : vector<16xf32>
        tpu.vector_store_idx %arg6[%get3A_168], %neg3A_171 {add = true} : memref<50000xf32, #tpu.memory_space<vmem>>[vector<16xi32>], vector<16xf32>,
        %scan3A_172 = arith.constant 2 : i32
        %scan3A_173 = arith.addi %scan3A_132, %scan3A_172 : i32
        %mul3A_174 = arith.constant 16 : i32
        %mul3A_175 = arith.muli %scan3A_173, %mul3A_174 : i32
        %get3A_176 = arith.constant 0 : i32
        %get3A_177 = arith.index_cast %get3A_176 : i32 to index
        %get3A_178 = arith.index_cast %mul3A_175 : i32 to index
        %get3A_179 = tpu.vector_load %arg8[%get3A_177, %get3A_178] {strides = array<i32>} : memref<2x2048xf32, #tpu.memory_space<vmem>>, vector<16xf32>,
        %mul3A_180 = arith.mulf %get3A_179, %get3A_5 : vector<16xf32>
        %add3A_181 = arith.addf %mul3A_180, %get3A_7 : vector<16xf32>
        %get3A_182 = arith.constant 1 : i32
        %get3A_183 = arith.index_cast %get3A_182 : i32 to index
        %get3A_184 = arith.index_cast %mul3A_175 : i32 to index
        %get3A_185 = tpu.vector_load %arg7[%get3A_183, %get3A_184] {strides = array<i32>} : memref<2x2048xi32, #tpu.memory_space<vmem>>, vector<16xi32>,
        tpu.vector_store_idx %arg6[%get3A_185], %add3A_181 {add = true} : memref<50000xf32, #tpu.memory_space<vmem>>[vector<16xi32>], vector<16xf32>,
        %get3A_186 = arith.constant 0 : i32
        %get3A_187 = arith.index_cast %get3A_186 : i32 to index
        %get3A_188 = arith.index_cast %mul3A_175 : i32 to index
        %get3A_189 = tpu.vector_load %arg7[%get3A_187, %get3A_188] {strides = array<i32>} : memref<2x2048xi32, #tpu.memory_space<vmem>>, vector<16xi32>,
        %neg3A_190 = arith.constant 0.000000e+00 : f32
        %neg3A_191 = vector.broadcast %neg3A_190 : f32 to vector<16xf32>
        %neg3A_192 = arith.subf %neg3A_191, %add3A_181 : vector<16xf32>
        tpu.vector_store_idx %arg6[%get3A_189], %neg3A_192 {add = true} : memref<50000xf32, #tpu.memory_space<vmem>>[vector<16xi32>], vector<16xf32>,
        %scan3A_193 = arith.constant 3 : i32
        %scan3A_194 = arith.addi %scan3A_132, %scan3A_193 : i32
        %mul3A_195 = arith.constant 16 : i32
        %mul3A_196 = arith.muli %scan3A_194, %mul3A_195 : i32
        %get3A_197 = arith.constant 0 : i32
        %get3A_198 = arith.index_cast %get3A_197 : i32 to index
        %get3A_199 = arith.index_cast %mul3A_196 : i32 to index
        %get3A_200 = tpu.vector_load %arg8[%get3A_198, %get3A_199] {strides = array<i32>} : memref<2x2048xf32, #tpu.memory_space<vmem>>, vector<16xf32>,
        %mul3A_201 = arith.mulf %get3A_200, %get3A_5 : vector<16xf32>
        %add3A_202 = arith.addf %mul3A_201, %get3A_7 : vector<16xf32>
        %get3A_203 = arith.constant 1 : i32
        %get3A_204 = arith.index_cast %get3A_203 : i32 to index
        %get3A_205 = arith.index_cast %mul3A_196 : i32 to index
        %get3A_206 = tpu.vector_load %arg7[%get3A_204, %get3A_205] {strides = array<i32>} : memref<2x2048xi32, #tpu.memory_space<vmem>>, vector<16xi32>,
        tpu.vector_store_idx %arg6[%get3A_206], %add3A_202 {add = true} : memref<50000xf32, #tpu.memory_space<vmem>>[vector<16xi32>], vector<16xf32>,
        %get3A_207 = arith.constant 0 : i32
        %get3A_208 = arith.index_cast %get3A_207 : i32 to index
        %get3A_209 = arith.index_cast %mul3A_196 : i32 to index
        %get3A_210 = tpu.vector_load %arg7[%get3A_208, %get3A_209] {strides = array<i32>} : memref<2x2048xi32, #tpu.memory_space<vmem>>, vector<16xi32>,
        %neg3A_211 = arith.constant 0.000000e+00 : f32
        %neg3A_212 = vector.broadcast %neg3A_211 : f32 to vector<16xf32>
        %neg3A_213 = arith.subf %neg3A_212, %add3A_202 : vector<16xf32>
        tpu.vector_store_idx %arg6[%get3A_210], %neg3A_213 {add = true} : memref<50000xf32, #tpu.memory_space<vmem>>[vector<16xi32>], vector<16xf32>,
        %scan3A_214 = arith.constant 4 : i32
        %scan3A_215 = arith.addi %scan3A_132, %scan3A_214 : i32
        %mul3A_216 = arith.constant 16 : i32
        %mul3A_217 = arith.muli %scan3A_215, %mul3A_216 : i32
        %get3A_218 = arith.constant 0 : i32
        %get3A_219 = arith.index_cast %get3A_218 : i32 to index
        %get3A_220 = arith.index_cast %mul3A_217 : i32 to index
        %get3A_221 = tpu.vector_load %arg8[%get3A_219, %get3A_220] {strides = array<i32>} : memref<2x2048xf32, #tpu.memory_space<vmem>>, vector<16xf32>,
        %mul3A_222 = arith.mulf %get3A_221, %get3A_5 : vector<16xf32>
        %add3A_223 = arith.addf %mul3A_222, %get3A_7 : vector<16xf32>
        %get3A_224 = arith.constant 1 : i32
        %get3A_225 = arith.index_cast %get3A_224 : i32 to index
        %get3A_226 = arith.index_cast %mul3A_217 : i32 to index
        %get3A_227 = tpu.vector_load %arg7[%get3A_225, %get3A_226] {strides = array<i32>} : memref<2x2048xi32, #tpu.memory_space<vmem>>, vector<16xi32>,
        tpu.vector_store_idx %arg6[%get3A_227], %add3A_223 {add = true} : memref<50000xf32, #tpu.memory_space<vmem>>[vector<16xi32>], vector<16xf32>,
        %get3A_228 = arith.constant 0 : i32
        %get3A_229 = arith.index_cast %get3A_228 : i32 to index
        %get3A_230 = arith.index_cast %mul3A_217 : i32 to index
        %get3A_231 = tpu.vector_load %arg7[%get3A_229, %get3A_230] {strides = array<i32>} : memref<2x2048xi32, #tpu.memory_space<vmem>>, vector<16xi32>,
        %neg3A_232 = arith.constant 0.000000e+00 : f32
        %neg3A_233 = vector.broadcast %neg3A_232 : f32 to vector<16xf32>
        %neg3A_234 = arith.subf %neg3A_233, %add3A_223 : vector<16xf32>
        tpu.vector_store_idx %arg6[%get3A_231], %neg3A_234 {add = true} : memref<50000xf32, #tpu.memory_space<vmem>>[vector<16xi32>], vector<16xf32>,
        %scan3A_235 = arith.constant 5 : i32
        %scan3A_236 = arith.addi %scan3A_132, %scan3A_235 : i32
        %mul3A_237 = arith.constant 16 : i32
        %mul3A_238 = arith.muli %scan3A_236, %mul3A_237 : i32
        %get3A_239 = arith.constant 0 : i32
        %get3A_240 = arith.index_cast %get3A_239 : i32 to index
        %get3A_241 = arith.index_cast %mul3A_238 : i32 to index
        %get3A_242 = tpu.vector_load %arg8[%get3A_240, %get3A_241] {strides = array<i32>} : memref<2x2048xf32, #tpu.memory_space<vmem>>, vector<16xf32>,
        %mul3A_243 = arith.mulf %get3A_242, %get3A_5 : vector<16xf32>
        %add3A_244 = arith.addf %mul3A_243, %get3A_7 : vector<16xf32>
        %get3A_245 = arith.constant 1 : i32
        %get3A_246 = arith.index_cast %get3A_245 : i32 to index
        %get3A_247 = arith.index_cast %mul3A_238 : i32 to index
        %get3A_248 = tpu.vector_load %arg7[%get3A_246, %get3A_247] {strides = array<i32>} : memref<2x2048xi32, #tpu.memory_space<vmem>>, vector<16xi32>,
        tpu.vector_store_idx %arg6[%get3A_248], %add3A_244 {add = true} : memref<50000xf32, #tpu.memory_space<vmem>>[vector<16xi32>], vector<16xf32>,
        %get3A_249 = arith.constant 0 : i32
        %get3A_250 = arith.index_cast %get3A_249 : i32 to index
        %get3A_251 = arith.index_cast %mul3A_238 : i32 to index
        %get3A_252 = tpu.vector_load %arg7[%get3A_250, %get3A_251] {strides = array<i32>} : memref<2x2048xi32, #tpu.memory_space<vmem>>, vector<16xi32>,
        %neg3A_253 = arith.constant 0.000000e+00 : f32
        %neg3A_254 = vector.broadcast %neg3A_253 : f32 to vector<16xf32>
        %neg3A_255 = arith.subf %neg3A_254, %add3A_244 : vector<16xf32>
        tpu.vector_store_idx %arg6[%get3A_252], %neg3A_255 {add = true} : memref<50000xf32, #tpu.memory_space<vmem>>[vector<16xi32>], vector<16xf32>,
        %scan3A_256 = arith.constant 6 : i32
        %scan3A_257 = arith.addi %scan3A_132, %scan3A_256 : i32
        %mul3A_258 = arith.constant 16 : i32
        %mul3A_259 = arith.muli %scan3A_257, %mul3A_258 : i32
        %get3A_260 = arith.constant 0 : i32
        %get3A_261 = arith.index_cast %get3A_260 : i32 to index
        %get3A_262 = arith.index_cast %mul3A_259 : i32 to index
        %get3A_263 = tpu.vector_load %arg8[%get3A_261, %get3A_262] {strides = array<i32>} : memref<2x2048xf32, #tpu.memory_space<vmem>>, vector<16xf32>,
        %mul3A_264 = arith.mulf %get3A_263, %get3A_5 : vector<16xf32>
        %add3A_265 = arith.addf %mul3A_264, %get3A_7 : vector<16xf32>
        %get3A_266 = arith.constant 1 : i32
        %get3A_267 = arith.index_cast %get3A_266 : i32 to index
        %get3A_268 = arith.index_cast %mul3A_259 : i32 to index
        %get3A_269 = tpu.vector_load %arg7[%get3A_267, %get3A_268] {strides = array<i32>} : memref<2x2048xi32, #tpu.memory_space<vmem>>, vector<16xi32>,
        tpu.vector_store_idx %arg6[%get3A_269], %add3A_265 {add = true} : memref<50000xf32, #tpu.memory_space<vmem>>[vector<16xi32>], vector<16xf32>,
        %get3A_270 = arith.constant 0 : i32
        %get3A_271 = arith.index_cast %get3A_270 : i32 to index
        %get3A_272 = arith.index_cast %mul3A_259 : i32 to index
        %get3A_273 = tpu.vector_load %arg7[%get3A_271, %get3A_272] {strides = array<i32>} : memref<2x2048xi32, #tpu.memory_space<vmem>>, vector<16xi32>,
        %neg3A_274 = arith.constant 0.000000e+00 : f32
        %neg3A_275 = vector.broadcast %neg3A_274 : f32 to vector<16xf32>
        %neg3A_276 = arith.subf %neg3A_275, %add3A_265 : vector<16xf32>
        tpu.vector_store_idx %arg6[%get3A_273], %neg3A_276 {add = true} : memref<50000xf32, #tpu.memory_space<vmem>>[vector<16xi32>], vector<16xf32>,
        %scan3A_277 = arith.constant 7 : i32
        %scan3A_278 = arith.addi %scan3A_132, %scan3A_277 : i32
        %mul3A_279 = arith.constant 16 : i32
        %mul3A_280 = arith.muli %scan3A_278, %mul3A_279 : i32
        %get3A_281 = arith.constant 0 : i32
        %get3A_282 = arith.index_cast %get3A_281 : i32 to index
        %get3A_283 = arith.index_cast %mul3A_280 : i32 to index
        %get3A_284 = tpu.vector_load %arg8[%get3A_282, %get3A_283] {strides = array<i32>} : memref<2x2048xf32, #tpu.memory_space<vmem>>, vector<16xf32>,
        %mul3A_285 = arith.mulf %get3A_284, %get3A_5 : vector<16xf32>
        %add3A_286 = arith.addf %mul3A_285, %get3A_7 : vector<16xf32>
        %get3A_287 = arith.constant 1 : i32
        %get3A_288 = arith.index_cast %get3A_287 : i32 to index
        %get3A_289 = arith.index_cast %mul3A_280 : i32 to index
        %get3A_290 = tpu.vector_load %arg7[%get3A_288, %get3A_289] {strides = array<i32>} : memref<2x2048xi32, #tpu.memory_space<vmem>>, vector<16xi32>,
        tpu.vector_store_idx %arg6[%get3A_290], %add3A_286 {add = true} : memref<50000xf32, #tpu.memory_space<vmem>>[vector<16xi32>], vector<16xf32>,
        %get3A_291 = arith.constant 0 : i32
        %get3A_292 = arith.index_cast %get3A_291 : i32 to index
        %get3A_293 = arith.index_cast %mul3A_280 : i32 to index
        %get3A_294 = tpu.vector_load %arg7[%get3A_292, %get3A_293] {strides = array<i32>} : memref<2x2048xi32, #tpu.memory_space<vmem>>, vector<16xi32>,
        %neg3A_295 = arith.constant 0.000000e+00 : f32
        %neg3A_296 = vector.broadcast %neg3A_295 : f32 to vector<16xf32>
        %neg3A_297 = arith.subf %neg3A_296, %add3A_286 : vector<16xf32>
        tpu.vector_store_idx %arg6[%get3A_294], %neg3A_297 {add = true} : memref<50000xf32, #tpu.memory_space<vmem>>[vector<16xi32>], vector<16xf32>,
      }
      %scan3A_105 = arith.constant 128 : i32
      %mul3A_106 = arith.constant 2 : i32
      %mul3A_107 = arith.muli %mul3A_106, %scan3A_72 : i32
      %add3A_108 = arith.constant 2 : i32
      %add3A_109 = arith.addi %mul3A_107, %add3A_108 : i32
      %lt3A_110 = arith.constant 24 : i32
      %lt3A_111 = arith.cmpi slt, %add3A_109, %lt3A_110 : i32
      %convert_element_type3A_112 = arith.extui %lt3A_111 : i1 to i32
      %cond3A_113 = arith.constant 0 : i32
      %cond3A_114 = arith.cmpi ne, %convert_element_type3A_112, %cond3A_113 : i32
      scf.if %cond3A_114 {
        %mul3A_132 = arith.constant 2 : i32
        %mul3A_133 = arith.muli %mul3A_132, %scan3A_72 : i32
        %add3A_134 = arith.constant 2 : i32
        %add3A_135 = arith.addi %mul3A_133, %add3A_134 : i32
        %mul3A_136 = arith.constant 16 : i32
        %mul3A_137 = arith.muli %add3A_135, %mul3A_136 : i32
        %add3A_138 = arith.addi %add3A_4, %mul3A_137 : i32
        %mul3A_139 = arith.constant 128 : i32
        %mul3A_140 = arith.muli %add3A_138, %mul3A_139 : i32
        %dma_start3A_141 = arith.constant 0 : i32
        %dma_start3A_142 = tpu.memref_slice %arg2[%dma_start3A_141, %mul3A_140] : memref<2x1600000xi32, #tpu.memory_space<hbm>> -> memref<2x2048xi32, #tpu.memory_space<hbm>>
        %dma_start3A_143 = arith.constant 0 : i32
        %dma_start3A_144 = tpu.memref_slice %arg2[%dma_start3A_143, %mul3A_140] : memref<2x1600000xi32, #tpu.memory_space<hbm>> -> memref<2x2048xi32, #tpu.memory_space<hbm>>
        tpu.enqueue_dma source(%dma_start3A_144 : memref<2x2048xi32, #tpu.memory_space<hbm>>) target(%arg7 : memref<2x2048xi32, #tpu.memory_space<vmem>>) target_semaphore(%arg12 : memref<!tpu.dma_semaphore, #tpu.memory_space<semaphore_mem>>)
        %dma_start3A_145 = arith.constant 0 : i32
        %dma_start3A_146 = tpu.memref_slice %arg3[%dma_start3A_145, %mul3A_140] : memref<2x1600000xf32, #tpu.memory_space<hbm>> -> memref<2x2048xf32, #tpu.memory_space<hbm>>
        %dma_start3A_147 = arith.constant 0 : i32
        %dma_start3A_148 = tpu.memref_slice %arg3[%dma_start3A_147, %mul3A_140] : memref<2x1600000xf32, #tpu.memory_space<hbm>> -> memref<2x2048xf32, #tpu.memory_space<hbm>>
        tpu.enqueue_dma source(%dma_start3A_148 : memref<2x2048xf32, #tpu.memory_space<hbm>>) target(%arg8 : memref<2x2048xf32, #tpu.memory_space<vmem>>) target_semaphore(%arg12 : memref<!tpu.dma_semaphore, #tpu.memory_space<semaphore_mem>>)
      } else {
      }
      %dma_wait3A_115 = arith.constant 0 : i32
      %dma_wait3A_116 = arith.constant 0 : i32
      %dma_wait3A_117 = tpu.memref_slice %arg2[%dma_wait3A_115, %dma_wait3A_116] : memref<2x1600000xi32, #tpu.memory_space<hbm>> -> memref<2x2048xi32, #tpu.memory_space<hbm>>
      %dma_wait3A_118 = arith.constant 0 : i32
      %dma_wait3A_119 = arith.constant 0 : i32
      %dma_wait3A_120 = tpu.memref_slice %arg2[%dma_wait3A_118, %dma_wait3A_119] : memref<2x1600000xi32, #tpu.memory_space<hbm>> -> memref<2x2048xi32, #tpu.memory_space<hbm>>
      tpu.wait_dma2 semaphore(%arg13 : memref<!tpu.dma_semaphore, #tpu.memory_space<semaphore_mem>>) src(%dma_wait3A_120 : memref<2x2048xi32, #tpu.memory_space<hbm>>) dst(%arg9 : memref<2x2048xi32, #tpu.memory_space<vmem>>)
      %dma_wait3A_121 = arith.constant 0 : i32
      %dma_wait3A_122 = arith.constant 0 : i32
      %dma_wait3A_123 = tpu.memref_slice %arg3[%dma_wait3A_121, %dma_wait3A_122] : memref<2x1600000xf32, #tpu.memory_space<hbm>> -> memref<2x2048xf32, #tpu.memory_space<hbm>>
      %dma_wait3A_124 = arith.constant 0 : i32
      %dma_wait3A_125 = arith.constant 0 : i32
      %dma_wait3A_126 = tpu.memref_slice %arg3[%dma_wait3A_124, %dma_wait3A_125] : memref<2x1600000xf32, #tpu.memory_space<hbm>> -> memref<2x2048xf32, #tpu.memory_space<hbm>>
      tpu.wait_dma2 semaphore(%arg13 : memref<!tpu.dma_semaphore, #tpu.memory_space<semaphore_mem>>) src(%dma_wait3A_126 : memref<2x2048xf32, #tpu.memory_space<hbm>>) dst(%arg10 : memref<2x2048xf32, #tpu.memory_space<vmem>>)
      %scan3A_127 = arith.constant 0 : i32
      %scan3A_128 = arith.constant 128 : i32
      %scan3A_129 = arith.addi %scan3A_127, %scan3A_128 : i32
      %scan3A_130 = arith.constant 8 : i32
      scf.for %scan3A_132 = %scan3A_127 to %scan3A_129 step %scan3A_130  : i32 {
        %mul3A_133 = arith.constant 16 : i32
        %mul3A_134 = arith.muli %scan3A_132, %mul3A_133 : i32
        %get3A_135 = arith.constant 0 : i32
        %get3A_136 = arith.index_cast %get3A_135 : i32 to index
        %get3A_137 = arith.index_cast %mul3A_134 : i32 to index
        %get3A_138 = tpu.vector_load %arg10[%get3A_136, %get3A_137] {strides = array<i32>} : memref<2x2048xf32, #tpu.memory_space<vmem>>, vector<16xf32>,
        %mul3A_139 = arith.mulf %get3A_138, %get3A_5 : vector<16xf32>
        %add3A_140 = arith.addf %mul3A_139, %get3A_7 : vector<16xf32>
        %get3A_141 = arith.constant 1 : i32
        %get3A_142 = arith.index_cast %get3A_141 : i32 to index
        %get3A_143 = arith.index_cast %mul3A_134 : i32 to index
        %get3A_144 = tpu.vector_load %arg9[%get3A_142, %get3A_143] {strides = array<i32>} : memref<2x2048xi32, #tpu.memory_space<vmem>>, vector<16xi32>,
        tpu.vector_store_idx %arg6[%get3A_144], %add3A_140 {add = true} : memref<50000xf32, #tpu.memory_space<vmem>>[vector<16xi32>], vector<16xf32>,
        %get3A_145 = arith.constant 0 : i32
        %get3A_146 = arith.index_cast %get3A_145 : i32 to index
        %get3A_147 = arith.index_cast %mul3A_134 : i32 to index
        %get3A_148 = tpu.vector_load %arg9[%get3A_146, %get3A_147] {strides = array<i32>} : memref<2x2048xi32, #tpu.memory_space<vmem>>, vector<16xi32>,
        %neg3A = arith.constant 0.000000e+00 : f32
        %neg3A_149 = vector.broadcast %neg3A : f32 to vector<16xf32>
        %neg3A_150 = arith.subf %neg3A_149, %add3A_140 : vector<16xf32>
        tpu.vector_store_idx %arg6[%get3A_148], %neg3A_150 {add = true} : memref<50000xf32, #tpu.memory_space<vmem>>[vector<16xi32>], vector<16xf32>,
        %scan3A_151 = arith.constant 1 : i32
        %scan3A_152 = arith.addi %scan3A_132, %scan3A_151 : i32
        %mul3A_153 = arith.constant 16 : i32
        %mul3A_154 = arith.muli %scan3A_152, %mul3A_153 : i32
        %get3A_155 = arith.constant 0 : i32
        %get3A_156 = arith.index_cast %get3A_155 : i32 to index
        %get3A_157 = arith.index_cast %mul3A_154 : i32 to index
        %get3A_158 = tpu.vector_load %arg10[%get3A_156, %get3A_157] {strides = array<i32>} : memref<2x2048xf32, #tpu.memory_space<vmem>>, vector<16xf32>,
        %mul3A_159 = arith.mulf %get3A_158, %get3A_5 : vector<16xf32>
        %add3A_160 = arith.addf %mul3A_159, %get3A_7 : vector<16xf32>
        %get3A_161 = arith.constant 1 : i32
        %get3A_162 = arith.index_cast %get3A_161 : i32 to index
        %get3A_163 = arith.index_cast %mul3A_154 : i32 to index
        %get3A_164 = tpu.vector_load %arg9[%get3A_162, %get3A_163] {strides = array<i32>} : memref<2x2048xi32, #tpu.memory_space<vmem>>, vector<16xi32>,
        tpu.vector_store_idx %arg6[%get3A_164], %add3A_160 {add = true} : memref<50000xf32, #tpu.memory_space<vmem>>[vector<16xi32>], vector<16xf32>,
        %get3A_165 = arith.constant 0 : i32
        %get3A_166 = arith.index_cast %get3A_165 : i32 to index
        %get3A_167 = arith.index_cast %mul3A_154 : i32 to index
        %get3A_168 = tpu.vector_load %arg9[%get3A_166, %get3A_167] {strides = array<i32>} : memref<2x2048xi32, #tpu.memory_space<vmem>>, vector<16xi32>,
        %neg3A_169 = arith.constant 0.000000e+00 : f32
        %neg3A_170 = vector.broadcast %neg3A_169 : f32 to vector<16xf32>
        %neg3A_171 = arith.subf %neg3A_170, %add3A_160 : vector<16xf32>
        tpu.vector_store_idx %arg6[%get3A_168], %neg3A_171 {add = true} : memref<50000xf32, #tpu.memory_space<vmem>>[vector<16xi32>], vector<16xf32>,
        %scan3A_172 = arith.constant 2 : i32
        %scan3A_173 = arith.addi %scan3A_132, %scan3A_172 : i32
        %mul3A_174 = arith.constant 16 : i32
        %mul3A_175 = arith.muli %scan3A_173, %mul3A_174 : i32
        %get3A_176 = arith.constant 0 : i32
        %get3A_177 = arith.index_cast %get3A_176 : i32 to index
        %get3A_178 = arith.index_cast %mul3A_175 : i32 to index
        %get3A_179 = tpu.vector_load %arg10[%get3A_177, %get3A_178] {strides = array<i32>} : memref<2x2048xf32, #tpu.memory_space<vmem>>, vector<16xf32>,
        %mul3A_180 = arith.mulf %get3A_179, %get3A_5 : vector<16xf32>
        %add3A_181 = arith.addf %mul3A_180, %get3A_7 : vector<16xf32>
        %get3A_182 = arith.constant 1 : i32
        %get3A_183 = arith.index_cast %get3A_182 : i32 to index
        %get3A_184 = arith.index_cast %mul3A_175 : i32 to index
        %get3A_185 = tpu.vector_load %arg9[%get3A_183, %get3A_184] {strides = array<i32>} : memref<2x2048xi32, #tpu.memory_space<vmem>>, vector<16xi32>,
        tpu.vector_store_idx %arg6[%get3A_185], %add3A_181 {add = true} : memref<50000xf32, #tpu.memory_space<vmem>>[vector<16xi32>], vector<16xf32>,
        %get3A_186 = arith.constant 0 : i32
        %get3A_187 = arith.index_cast %get3A_186 : i32 to index
        %get3A_188 = arith.index_cast %mul3A_175 : i32 to index
        %get3A_189 = tpu.vector_load %arg9[%get3A_187, %get3A_188] {strides = array<i32>} : memref<2x2048xi32, #tpu.memory_space<vmem>>, vector<16xi32>,
        %neg3A_190 = arith.constant 0.000000e+00 : f32
        %neg3A_191 = vector.broadcast %neg3A_190 : f32 to vector<16xf32>
        %neg3A_192 = arith.subf %neg3A_191, %add3A_181 : vector<16xf32>
        tpu.vector_store_idx %arg6[%get3A_189], %neg3A_192 {add = true} : memref<50000xf32, #tpu.memory_space<vmem>>[vector<16xi32>], vector<16xf32>,
        %scan3A_193 = arith.constant 3 : i32
        %scan3A_194 = arith.addi %scan3A_132, %scan3A_193 : i32
        %mul3A_195 = arith.constant 16 : i32
        %mul3A_196 = arith.muli %scan3A_194, %mul3A_195 : i32
        %get3A_197 = arith.constant 0 : i32
        %get3A_198 = arith.index_cast %get3A_197 : i32 to index
        %get3A_199 = arith.index_cast %mul3A_196 : i32 to index
        %get3A_200 = tpu.vector_load %arg10[%get3A_198, %get3A_199] {strides = array<i32>} : memref<2x2048xf32, #tpu.memory_space<vmem>>, vector<16xf32>,
        %mul3A_201 = arith.mulf %get3A_200, %get3A_5 : vector<16xf32>
        %add3A_202 = arith.addf %mul3A_201, %get3A_7 : vector<16xf32>
        %get3A_203 = arith.constant 1 : i32
        %get3A_204 = arith.index_cast %get3A_203 : i32 to index
        %get3A_205 = arith.index_cast %mul3A_196 : i32 to index
        %get3A_206 = tpu.vector_load %arg9[%get3A_204, %get3A_205] {strides = array<i32>} : memref<2x2048xi32, #tpu.memory_space<vmem>>, vector<16xi32>,
        tpu.vector_store_idx %arg6[%get3A_206], %add3A_202 {add = true} : memref<50000xf32, #tpu.memory_space<vmem>>[vector<16xi32>], vector<16xf32>,
        %get3A_207 = arith.constant 0 : i32
        %get3A_208 = arith.index_cast %get3A_207 : i32 to index
        %get3A_209 = arith.index_cast %mul3A_196 : i32 to index
        %get3A_210 = tpu.vector_load %arg9[%get3A_208, %get3A_209] {strides = array<i32>} : memref<2x2048xi32, #tpu.memory_space<vmem>>, vector<16xi32>,
        %neg3A_211 = arith.constant 0.000000e+00 : f32
        %neg3A_212 = vector.broadcast %neg3A_211 : f32 to vector<16xf32>
        %neg3A_213 = arith.subf %neg3A_212, %add3A_202 : vector<16xf32>
        tpu.vector_store_idx %arg6[%get3A_210], %neg3A_213 {add = true} : memref<50000xf32, #tpu.memory_space<vmem>>[vector<16xi32>], vector<16xf32>,
        %scan3A_214 = arith.constant 4 : i32
        %scan3A_215 = arith.addi %scan3A_132, %scan3A_214 : i32
        %mul3A_216 = arith.constant 16 : i32
        %mul3A_217 = arith.muli %scan3A_215, %mul3A_216 : i32
        %get3A_218 = arith.constant 0 : i32
        %get3A_219 = arith.index_cast %get3A_218 : i32 to index
        %get3A_220 = arith.index_cast %mul3A_217 : i32 to index
        %get3A_221 = tpu.vector_load %arg10[%get3A_219, %get3A_220] {strides = array<i32>} : memref<2x2048xf32, #tpu.memory_space<vmem>>, vector<16xf32>,
        %mul3A_222 = arith.mulf %get3A_221, %get3A_5 : vector<16xf32>
        %add3A_223 = arith.addf %mul3A_222, %get3A_7 : vector<16xf32>
        %get3A_224 = arith.constant 1 : i32
        %get3A_225 = arith.index_cast %get3A_224 : i32 to index
        %get3A_226 = arith.index_cast %mul3A_217 : i32 to index
        %get3A_227 = tpu.vector_load %arg9[%get3A_225, %get3A_226] {strides = array<i32>} : memref<2x2048xi32, #tpu.memory_space<vmem>>, vector<16xi32>,
        tpu.vector_store_idx %arg6[%get3A_227], %add3A_223 {add = true} : memref<50000xf32, #tpu.memory_space<vmem>>[vector<16xi32>], vector<16xf32>,
        %get3A_228 = arith.constant 0 : i32
        %get3A_229 = arith.index_cast %get3A_228 : i32 to index
        %get3A_230 = arith.index_cast %mul3A_217 : i32 to index
        %get3A_231 = tpu.vector_load %arg9[%get3A_229, %get3A_230] {strides = array<i32>} : memref<2x2048xi32, #tpu.memory_space<vmem>>, vector<16xi32>,
        %neg3A_232 = arith.constant 0.000000e+00 : f32
        %neg3A_233 = vector.broadcast %neg3A_232 : f32 to vector<16xf32>
        %neg3A_234 = arith.subf %neg3A_233, %add3A_223 : vector<16xf32>
        tpu.vector_store_idx %arg6[%get3A_231], %neg3A_234 {add = true} : memref<50000xf32, #tpu.memory_space<vmem>>[vector<16xi32>], vector<16xf32>,
        %scan3A_235 = arith.constant 5 : i32
        %scan3A_236 = arith.addi %scan3A_132, %scan3A_235 : i32
        %mul3A_237 = arith.constant 16 : i32
        %mul3A_238 = arith.muli %scan3A_236, %mul3A_237 : i32
        %get3A_239 = arith.constant 0 : i32
        %get3A_240 = arith.index_cast %get3A_239 : i32 to index
        %get3A_241 = arith.index_cast %mul3A_238 : i32 to index
        %get3A_242 = tpu.vector_load %arg10[%get3A_240, %get3A_241] {strides = array<i32>} : memref<2x2048xf32, #tpu.memory_space<vmem>>, vector<16xf32>,
        %mul3A_243 = arith.mulf %get3A_242, %get3A_5 : vector<16xf32>
        %add3A_244 = arith.addf %mul3A_243, %get3A_7 : vector<16xf32>
        %get3A_245 = arith.constant 1 : i32
        %get3A_246 = arith.index_cast %get3A_245 : i32 to index
        %get3A_247 = arith.index_cast %mul3A_238 : i32 to index
        %get3A_248 = tpu.vector_load %arg9[%get3A_246, %get3A_247] {strides = array<i32>} : memref<2x2048xi32, #tpu.memory_space<vmem>>, vector<16xi32>,
        tpu.vector_store_idx %arg6[%get3A_248], %add3A_244 {add = true} : memref<50000xf32, #tpu.memory_space<vmem>>[vector<16xi32>], vector<16xf32>,
        %get3A_249 = arith.constant 0 : i32
        %get3A_250 = arith.index_cast %get3A_249 : i32 to index
        %get3A_251 = arith.index_cast %mul3A_238 : i32 to index
        %get3A_252 = tpu.vector_load %arg9[%get3A_250, %get3A_251] {strides = array<i32>} : memref<2x2048xi32, #tpu.memory_space<vmem>>, vector<16xi32>,
        %neg3A_253 = arith.constant 0.000000e+00 : f32
        %neg3A_254 = vector.broadcast %neg3A_253 : f32 to vector<16xf32>
        %neg3A_255 = arith.subf %neg3A_254, %add3A_244 : vector<16xf32>
        tpu.vector_store_idx %arg6[%get3A_252], %neg3A_255 {add = true} : memref<50000xf32, #tpu.memory_space<vmem>>[vector<16xi32>], vector<16xf32>,
        %scan3A_256 = arith.constant 6 : i32
        %scan3A_257 = arith.addi %scan3A_132, %scan3A_256 : i32
        %mul3A_258 = arith.constant 16 : i32
        %mul3A_259 = arith.muli %scan3A_257, %mul3A_258 : i32
        %get3A_260 = arith.constant 0 : i32
        %get3A_261 = arith.index_cast %get3A_260 : i32 to index
        %get3A_262 = arith.index_cast %mul3A_259 : i32 to index
        %get3A_263 = tpu.vector_load %arg10[%get3A_261, %get3A_262] {strides = array<i32>} : memref<2x2048xf32, #tpu.memory_space<vmem>>, vector<16xf32>,
        %mul3A_264 = arith.mulf %get3A_263, %get3A_5 : vector<16xf32>
        %add3A_265 = arith.addf %mul3A_264, %get3A_7 : vector<16xf32>
        %get3A_266 = arith.constant 1 : i32
        %get3A_267 = arith.index_cast %get3A_266 : i32 to index
        %get3A_268 = arith.index_cast %mul3A_259 : i32 to index
        %get3A_269 = tpu.vector_load %arg9[%get3A_267, %get3A_268] {strides = array<i32>} : memref<2x2048xi32, #tpu.memory_space<vmem>>, vector<16xi32>,
        tpu.vector_store_idx %arg6[%get3A_269], %add3A_265 {add = true} : memref<50000xf32, #tpu.memory_space<vmem>>[vector<16xi32>], vector<16xf32>,
        %get3A_270 = arith.constant 0 : i32
        %get3A_271 = arith.index_cast %get3A_270 : i32 to index
        %get3A_272 = arith.index_cast %mul3A_259 : i32 to index
        %get3A_273 = tpu.vector_load %arg9[%get3A_271, %get3A_272] {strides = array<i32>} : memref<2x2048xi32, #tpu.memory_space<vmem>>, vector<16xi32>,
        %neg3A_274 = arith.constant 0.000000e+00 : f32
        %neg3A_275 = vector.broadcast %neg3A_274 : f32 to vector<16xf32>
        %neg3A_276 = arith.subf %neg3A_275, %add3A_265 : vector<16xf32>
        tpu.vector_store_idx %arg6[%get3A_273], %neg3A_276 {add = true} : memref<50000xf32, #tpu.memory_space<vmem>>[vector<16xi32>], vector<16xf32>,
        %scan3A_277 = arith.constant 7 : i32
        %scan3A_278 = arith.addi %scan3A_132, %scan3A_277 : i32
        %mul3A_279 = arith.constant 16 : i32
        %mul3A_280 = arith.muli %scan3A_278, %mul3A_279 : i32
        %get3A_281 = arith.constant 0 : i32
        %get3A_282 = arith.index_cast %get3A_281 : i32 to index
        %get3A_283 = arith.index_cast %mul3A_280 : i32 to index
        %get3A_284 = tpu.vector_load %arg10[%get3A_282, %get3A_283] {strides = array<i32>} : memref<2x2048xf32, #tpu.memory_space<vmem>>, vector<16xf32>,
        %mul3A_285 = arith.mulf %get3A_284, %get3A_5 : vector<16xf32>
        %add3A_286 = arith.addf %mul3A_285, %get3A_7 : vector<16xf32>
        %get3A_287 = arith.constant 1 : i32
        %get3A_288 = arith.index_cast %get3A_287 : i32 to index
        %get3A_289 = arith.index_cast %mul3A_280 : i32 to index
        %get3A_290 = tpu.vector_load %arg9[%get3A_288, %get3A_289] {strides = array<i32>} : memref<2x2048xi32, #tpu.memory_space<vmem>>, vector<16xi32>,
        tpu.vector_store_idx %arg6[%get3A_290], %add3A_286 {add = true} : memref<50000xf32, #tpu.memory_space<vmem>>[vector<16xi32>], vector<16xf32>,
        %get3A_291 = arith.constant 0 : i32
        %get3A_292 = arith.index_cast %get3A_291 : i32 to index
        %get3A_293 = arith.index_cast %mul3A_280 : i32 to index
        %get3A_294 = tpu.vector_load %arg9[%get3A_292, %get3A_293] {strides = array<i32>} : memref<2x2048xi32, #tpu.memory_space<vmem>>, vector<16xi32>,
        %neg3A_295 = arith.constant 0.000000e+00 : f32
        %neg3A_296 = vector.broadcast %neg3A_295 : f32 to vector<16xf32>
        %neg3A_297 = arith.subf %neg3A_296, %add3A_286 : vector<16xf32>
        tpu.vector_store_idx %arg6[%get3A_294], %neg3A_297 {add = true} : memref<50000xf32, #tpu.memory_space<vmem>>[vector<16xi32>], vector<16xf32>,
      }
      %scan3A_131 = arith.constant 128 : i32
    }
    %scan3A_59 = arith.constant 12 : i32
    %add3A_60 = arith.constant 384 : i32
    %add3A_61 = arith.addi %add3A_4, %add3A_60 : i32
    %mul3A_62 = arith.constant 128 : i32
    %mul3A_63 = arith.muli %add3A_61, %mul3A_62 : i32
    "tpu.region"() ({
      %run_scoped3A = tpu.sem_alloc : memref<!tpu.dma_semaphore, #tpu.memory_space<semaphore_mem>>
      %dma_start3A_72 = arith.constant 0 : i32
      %dma_start3A_73 = arith.constant 0 : i32
      %dma_start3A_74 = tpu.memref_slice %arg7[%dma_start3A_72, %dma_start3A_73] : memref<2x2048xi32, #tpu.memory_space<vmem>> -> memref<2x768xi32, #tpu.memory_space<vmem>>
      %dma_start3A_75 = arith.constant 0 : i32
      %dma_start3A_76 = tpu.memref_slice %arg2[%dma_start3A_75, %mul3A_63] : memref<2x1600000xi32, #tpu.memory_space<hbm>> -> memref<2x768xi32, #tpu.memory_space<hbm>>
      %dma_start3A_77 = arith.constant 0 : i32
      %dma_start3A_78 = arith.constant 0 : i32
      %dma_start3A_79 = tpu.memref_slice %arg7[%dma_start3A_77, %dma_start3A_78] : memref<2x2048xi32, #tpu.memory_space<vmem>> -> memref<2x768xi32, #tpu.memory_space<vmem>>
      %dma_start3A_80 = arith.constant 0 : i32
      %dma_start3A_81 = tpu.memref_slice %arg2[%dma_start3A_80, %mul3A_63] : memref<2x1600000xi32, #tpu.memory_space<hbm>> -> memref<2x768xi32, #tpu.memory_space<hbm>>
      tpu.enqueue_dma source(%dma_start3A_81 : memref<2x768xi32, #tpu.memory_space<hbm>>) target(%dma_start3A_79 : memref<2x768xi32, #tpu.memory_space<vmem>>) target_semaphore(%run_scoped3A : memref<!tpu.dma_semaphore, #tpu.memory_space<semaphore_mem>>)
      %dma_wait3A = arith.constant 0 : i32
      %dma_wait3A_82 = arith.constant 0 : i32
      %dma_wait3A_83 = tpu.memref_slice %arg7[%dma_wait3A, %dma_wait3A_82] : memref<2x2048xi32, #tpu.memory_space<vmem>> -> memref<2x768xi32, #tpu.memory_space<vmem>>
      %dma_wait3A_84 = arith.constant 0 : i32
      %dma_wait3A_85 = tpu.memref_slice %arg2[%dma_wait3A_84, %mul3A_63] : memref<2x1600000xi32, #tpu.memory_space<hbm>> -> memref<2x768xi32, #tpu.memory_space<hbm>>
      %dma_wait3A_86 = arith.constant 0 : i32
      %dma_wait3A_87 = arith.constant 0 : i32
      %dma_wait3A_88 = tpu.memref_slice %arg7[%dma_wait3A_86, %dma_wait3A_87] : memref<2x2048xi32, #tpu.memory_space<vmem>> -> memref<2x768xi32, #tpu.memory_space<vmem>>
      %dma_wait3A_89 = arith.constant 0 : i32
      %dma_wait3A_90 = tpu.memref_slice %arg2[%dma_wait3A_89, %mul3A_63] : memref<2x1600000xi32, #tpu.memory_space<hbm>> -> memref<2x768xi32, #tpu.memory_space<hbm>>
      tpu.wait_dma2 semaphore(%run_scoped3A : memref<!tpu.dma_semaphore, #tpu.memory_space<semaphore_mem>>) src(%dma_wait3A_90 : memref<2x768xi32, #tpu.memory_space<hbm>>) dst(%dma_wait3A_88 : memref<2x768xi32, #tpu.memory_space<vmem>>)
      tpu.yield
    }) : () -> ()
    "tpu.region"() ({
      %run_scoped3A = tpu.sem_alloc : memref<!tpu.dma_semaphore, #tpu.memory_space<semaphore_mem>>
      %dma_start3A_72 = arith.constant 0 : i32
      %dma_start3A_73 = arith.constant 0 : i32
      %dma_start3A_74 = tpu.memref_slice %arg8[%dma_start3A_72, %dma_start3A_73] : memref<2x2048xf32, #tpu.memory_space<vmem>> -> memref<2x768xf32, #tpu.memory_space<vmem>>
      %dma_start3A_75 = arith.constant 0 : i32
      %dma_start3A_76 = tpu.memref_slice %arg3[%dma_start3A_75, %mul3A_63] : memref<2x1600000xf32, #tpu.memory_space<hbm>> -> memref<2x768xf32, #tpu.memory_space<hbm>>
      %dma_start3A_77 = arith.constant 0 : i32
      %dma_start3A_78 = arith.constant 0 : i32
      %dma_start3A_79 = tpu.memref_slice %arg8[%dma_start3A_77, %dma_start3A_78] : memref<2x2048xf32, #tpu.memory_space<vmem>> -> memref<2x768xf32, #tpu.memory_space<vmem>>
      %dma_start3A_80 = arith.constant 0 : i32
      %dma_start3A_81 = tpu.memref_slice %arg3[%dma_start3A_80, %mul3A_63] : memref<2x1600000xf32, #tpu.memory_space<hbm>> -> memref<2x768xf32, #tpu.memory_space<hbm>>
      tpu.enqueue_dma source(%dma_start3A_81 : memref<2x768xf32, #tpu.memory_space<hbm>>) target(%dma_start3A_79 : memref<2x768xf32, #tpu.memory_space<vmem>>) target_semaphore(%run_scoped3A : memref<!tpu.dma_semaphore, #tpu.memory_space<semaphore_mem>>)
      %dma_wait3A = arith.constant 0 : i32
      %dma_wait3A_82 = arith.constant 0 : i32
      %dma_wait3A_83 = tpu.memref_slice %arg8[%dma_wait3A, %dma_wait3A_82] : memref<2x2048xf32, #tpu.memory_space<vmem>> -> memref<2x768xf32, #tpu.memory_space<vmem>>
      %dma_wait3A_84 = arith.constant 0 : i32
      %dma_wait3A_85 = tpu.memref_slice %arg3[%dma_wait3A_84, %mul3A_63] : memref<2x1600000xf32, #tpu.memory_space<hbm>> -> memref<2x768xf32, #tpu.memory_space<hbm>>
      %dma_wait3A_86 = arith.constant 0 : i32
      %dma_wait3A_87 = arith.constant 0 : i32
      %dma_wait3A_88 = tpu.memref_slice %arg8[%dma_wait3A_86, %dma_wait3A_87] : memref<2x2048xf32, #tpu.memory_space<vmem>> -> memref<2x768xf32, #tpu.memory_space<vmem>>
      %dma_wait3A_89 = arith.constant 0 : i32
      %dma_wait3A_90 = tpu.memref_slice %arg3[%dma_wait3A_89, %mul3A_63] : memref<2x1600000xf32, #tpu.memory_space<hbm>> -> memref<2x768xf32, #tpu.memory_space<hbm>>
      tpu.wait_dma2 semaphore(%run_scoped3A : memref<!tpu.dma_semaphore, #tpu.memory_space<semaphore_mem>>) src(%dma_wait3A_90 : memref<2x768xf32, #tpu.memory_space<hbm>>) dst(%dma_wait3A_88 : memref<2x768xf32, #tpu.memory_space<vmem>>)
      tpu.yield
    }) : () -> ()
    %scan3A_64 = arith.constant 0 : i32
    %scan3A_65 = arith.constant 0 : i32
    %scan3A_66 = arith.constant 48 : i32
    %scan3A_67 = arith.addi %scan3A_65, %scan3A_66 : i32
    %scan3A_68 = arith.constant 8 : i32
    scf.for %scan3A_72 = %scan3A_65 to %scan3A_67 step %scan3A_68  : i32 {
      %mul3A_73 = arith.constant 16 : i32
      %mul3A_74 = arith.muli %scan3A_72, %mul3A_73 : i32
      %get3A_75 = arith.constant 0 : i32
      %get3A_76 = arith.index_cast %get3A_75 : i32 to index
      %get3A_77 = arith.index_cast %mul3A_74 : i32 to index
      %get3A_78 = tpu.vector_load %arg8[%get3A_76, %get3A_77] {strides = array<i32>} : memref<2x2048xf32, #tpu.memory_space<vmem>>, vector<16xf32>,
      %mul3A_79 = arith.mulf %get3A_78, %get3A_5 : vector<16xf32>
      %add3A_80 = arith.addf %mul3A_79, %get3A_7 : vector<16xf32>
      %get3A_81 = arith.constant 1 : i32
      %get3A_82 = arith.index_cast %get3A_81 : i32 to index
      %get3A_83 = arith.index_cast %mul3A_74 : i32 to index
      %get3A_84 = tpu.vector_load %arg7[%get3A_82, %get3A_83] {strides = array<i32>} : memref<2x2048xi32, #tpu.memory_space<vmem>>, vector<16xi32>,
      tpu.vector_store_idx %arg6[%get3A_84], %add3A_80 {add = true} : memref<50000xf32, #tpu.memory_space<vmem>>[vector<16xi32>], vector<16xf32>,
      %get3A_85 = arith.constant 0 : i32
      %get3A_86 = arith.index_cast %get3A_85 : i32 to index
      %get3A_87 = arith.index_cast %mul3A_74 : i32 to index
      %get3A_88 = tpu.vector_load %arg7[%get3A_86, %get3A_87] {strides = array<i32>} : memref<2x2048xi32, #tpu.memory_space<vmem>>, vector<16xi32>,
      %neg3A = arith.constant 0.000000e+00 : f32
      %neg3A_89 = vector.broadcast %neg3A : f32 to vector<16xf32>
      %neg3A_90 = arith.subf %neg3A_89, %add3A_80 : vector<16xf32>
      tpu.vector_store_idx %arg6[%get3A_88], %neg3A_90 {add = true} : memref<50000xf32, #tpu.memory_space<vmem>>[vector<16xi32>], vector<16xf32>,
      %scan3A_91 = arith.constant 1 : i32
      %scan3A_92 = arith.addi %scan3A_72, %scan3A_91 : i32
      %mul3A_93 = arith.constant 16 : i32
      %mul3A_94 = arith.muli %scan3A_92, %mul3A_93 : i32
      %get3A_95 = arith.constant 0 : i32
      %get3A_96 = arith.index_cast %get3A_95 : i32 to index
      %get3A_97 = arith.index_cast %mul3A_94 : i32 to index
      %get3A_98 = tpu.vector_load %arg8[%get3A_96, %get3A_97] {strides = array<i32>} : memref<2x2048xf32, #tpu.memory_space<vmem>>, vector<16xf32>,
      %mul3A_99 = arith.mulf %get3A_98, %get3A_5 : vector<16xf32>
      %add3A_100 = arith.addf %mul3A_99, %get3A_7 : vector<16xf32>
      %get3A_101 = arith.constant 1 : i32
      %get3A_102 = arith.index_cast %get3A_101 : i32 to index
      %get3A_103 = arith.index_cast %mul3A_94 : i32 to index
      %get3A_104 = tpu.vector_load %arg7[%get3A_102, %get3A_103] {strides = array<i32>} : memref<2x2048xi32, #tpu.memory_space<vmem>>, vector<16xi32>,
      tpu.vector_store_idx %arg6[%get3A_104], %add3A_100 {add = true} : memref<50000xf32, #tpu.memory_space<vmem>>[vector<16xi32>], vector<16xf32>,
      %get3A_105 = arith.constant 0 : i32
      %get3A_106 = arith.index_cast %get3A_105 : i32 to index
      %get3A_107 = arith.index_cast %mul3A_94 : i32 to index
      %get3A_108 = tpu.vector_load %arg7[%get3A_106, %get3A_107] {strides = array<i32>} : memref<2x2048xi32, #tpu.memory_space<vmem>>, vector<16xi32>,
      %neg3A_109 = arith.constant 0.000000e+00 : f32
      %neg3A_110 = vector.broadcast %neg3A_109 : f32 to vector<16xf32>
      %neg3A_111 = arith.subf %neg3A_110, %add3A_100 : vector<16xf32>
      tpu.vector_store_idx %arg6[%get3A_108], %neg3A_111 {add = true} : memref<50000xf32, #tpu.memory_space<vmem>>[vector<16xi32>], vector<16xf32>,
      %scan3A_112 = arith.constant 2 : i32
      %scan3A_113 = arith.addi %scan3A_72, %scan3A_112 : i32
      %mul3A_114 = arith.constant 16 : i32
      %mul3A_115 = arith.muli %scan3A_113, %mul3A_114 : i32
      %get3A_116 = arith.constant 0 : i32
      %get3A_117 = arith.index_cast %get3A_116 : i32 to index
      %get3A_118 = arith.index_cast %mul3A_115 : i32 to index
      %get3A_119 = tpu.vector_load %arg8[%get3A_117, %get3A_118] {strides = array<i32>} : memref<2x2048xf32, #tpu.memory_space<vmem>>, vector<16xf32>,
      %mul3A_120 = arith.mulf %get3A_119, %get3A_5 : vector<16xf32>
      %add3A_121 = arith.addf %mul3A_120, %get3A_7 : vector<16xf32>
      %get3A_122 = arith.constant 1 : i32
      %get3A_123 = arith.index_cast %get3A_122 : i32 to index
      %get3A_124 = arith.index_cast %mul3A_115 : i32 to index
      %get3A_125 = tpu.vector_load %arg7[%get3A_123, %get3A_124] {strides = array<i32>} : memref<2x2048xi32, #tpu.memory_space<vmem>>, vector<16xi32>,
      tpu.vector_store_idx %arg6[%get3A_125], %add3A_121 {add = true} : memref<50000xf32, #tpu.memory_space<vmem>>[vector<16xi32>], vector<16xf32>,
      %get3A_126 = arith.constant 0 : i32
      %get3A_127 = arith.index_cast %get3A_126 : i32 to index
      %get3A_128 = arith.index_cast %mul3A_115 : i32 to index
      %get3A_129 = tpu.vector_load %arg7[%get3A_127, %get3A_128] {strides = array<i32>} : memref<2x2048xi32, #tpu.memory_space<vmem>>, vector<16xi32>,
      %neg3A_130 = arith.constant 0.000000e+00 : f32
      %neg3A_131 = vector.broadcast %neg3A_130 : f32 to vector<16xf32>
      %neg3A_132 = arith.subf %neg3A_131, %add3A_121 : vector<16xf32>
      tpu.vector_store_idx %arg6[%get3A_129], %neg3A_132 {add = true} : memref<50000xf32, #tpu.memory_space<vmem>>[vector<16xi32>], vector<16xf32>,
      %scan3A_133 = arith.constant 3 : i32
      %scan3A_134 = arith.addi %scan3A_72, %scan3A_133 : i32
      %mul3A_135 = arith.constant 16 : i32
      %mul3A_136 = arith.muli %scan3A_134, %mul3A_135 : i32
      %get3A_137 = arith.constant 0 : i32
      %get3A_138 = arith.index_cast %get3A_137 : i32 to index
      %get3A_139 = arith.index_cast %mul3A_136 : i32 to index
      %get3A_140 = tpu.vector_load %arg8[%get3A_138, %get3A_139] {strides = array<i32>} : memref<2x2048xf32, #tpu.memory_space<vmem>>, vector<16xf32>,
      %mul3A_141 = arith.mulf %get3A_140, %get3A_5 : vector<16xf32>
      %add3A_142 = arith.addf %mul3A_141, %get3A_7 : vector<16xf32>
      %get3A_143 = arith.constant 1 : i32
      %get3A_144 = arith.index_cast %get3A_143 : i32 to index
      %get3A_145 = arith.index_cast %mul3A_136 : i32 to index
      %get3A_146 = tpu.vector_load %arg7[%get3A_144, %get3A_145] {strides = array<i32>} : memref<2x2048xi32, #tpu.memory_space<vmem>>, vector<16xi32>,
      tpu.vector_store_idx %arg6[%get3A_146], %add3A_142 {add = true} : memref<50000xf32, #tpu.memory_space<vmem>>[vector<16xi32>], vector<16xf32>,
      %get3A_147 = arith.constant 0 : i32
      %get3A_148 = arith.index_cast %get3A_147 : i32 to index
      %get3A_149 = arith.index_cast %mul3A_136 : i32 to index
      %get3A_150 = tpu.vector_load %arg7[%get3A_148, %get3A_149] {strides = array<i32>} : memref<2x2048xi32, #tpu.memory_space<vmem>>, vector<16xi32>,
      %neg3A_151 = arith.constant 0.000000e+00 : f32
      %neg3A_152 = vector.broadcast %neg3A_151 : f32 to vector<16xf32>
      %neg3A_153 = arith.subf %neg3A_152, %add3A_142 : vector<16xf32>
      tpu.vector_store_idx %arg6[%get3A_150], %neg3A_153 {add = true} : memref<50000xf32, #tpu.memory_space<vmem>>[vector<16xi32>], vector<16xf32>,
      %scan3A_154 = arith.constant 4 : i32
      %scan3A_155 = arith.addi %scan3A_72, %scan3A_154 : i32
      %mul3A_156 = arith.constant 16 : i32
      %mul3A_157 = arith.muli %scan3A_155, %mul3A_156 : i32
      %get3A_158 = arith.constant 0 : i32
      %get3A_159 = arith.index_cast %get3A_158 : i32 to index
      %get3A_160 = arith.index_cast %mul3A_157 : i32 to index
      %get3A_161 = tpu.vector_load %arg8[%get3A_159, %get3A_160] {strides = array<i32>} : memref<2x2048xf32, #tpu.memory_space<vmem>>, vector<16xf32>,
      %mul3A_162 = arith.mulf %get3A_161, %get3A_5 : vector<16xf32>
      %add3A_163 = arith.addf %mul3A_162, %get3A_7 : vector<16xf32>
      %get3A_164 = arith.constant 1 : i32
      %get3A_165 = arith.index_cast %get3A_164 : i32 to index
      %get3A_166 = arith.index_cast %mul3A_157 : i32 to index
      %get3A_167 = tpu.vector_load %arg7[%get3A_165, %get3A_166] {strides = array<i32>} : memref<2x2048xi32, #tpu.memory_space<vmem>>, vector<16xi32>,
      tpu.vector_store_idx %arg6[%get3A_167], %add3A_163 {add = true} : memref<50000xf32, #tpu.memory_space<vmem>>[vector<16xi32>], vector<16xf32>,
      %get3A_168 = arith.constant 0 : i32
      %get3A_169 = arith.index_cast %get3A_168 : i32 to index
      %get3A_170 = arith.index_cast %mul3A_157 : i32 to index
      %get3A_171 = tpu.vector_load %arg7[%get3A_169, %get3A_170] {strides = array<i32>} : memref<2x2048xi32, #tpu.memory_space<vmem>>, vector<16xi32>,
      %neg3A_172 = arith.constant 0.000000e+00 : f32
      %neg3A_173 = vector.broadcast %neg3A_172 : f32 to vector<16xf32>
      %neg3A_174 = arith.subf %neg3A_173, %add3A_163 : vector<16xf32>
      tpu.vector_store_idx %arg6[%get3A_171], %neg3A_174 {add = true} : memref<50000xf32, #tpu.memory_space<vmem>>[vector<16xi32>], vector<16xf32>,
      %scan3A_175 = arith.constant 5 : i32
      %scan3A_176 = arith.addi %scan3A_72, %scan3A_175 : i32
      %mul3A_177 = arith.constant 16 : i32
      %mul3A_178 = arith.muli %scan3A_176, %mul3A_177 : i32
      %get3A_179 = arith.constant 0 : i32
      %get3A_180 = arith.index_cast %get3A_179 : i32 to index
      %get3A_181 = arith.index_cast %mul3A_178 : i32 to index
      %get3A_182 = tpu.vector_load %arg8[%get3A_180, %get3A_181] {strides = array<i32>} : memref<2x2048xf32, #tpu.memory_space<vmem>>, vector<16xf32>,
      %mul3A_183 = arith.mulf %get3A_182, %get3A_5 : vector<16xf32>
      %add3A_184 = arith.addf %mul3A_183, %get3A_7 : vector<16xf32>
      %get3A_185 = arith.constant 1 : i32
      %get3A_186 = arith.index_cast %get3A_185 : i32 to index
      %get3A_187 = arith.index_cast %mul3A_178 : i32 to index
      %get3A_188 = tpu.vector_load %arg7[%get3A_186, %get3A_187] {strides = array<i32>} : memref<2x2048xi32, #tpu.memory_space<vmem>>, vector<16xi32>,
      tpu.vector_store_idx %arg6[%get3A_188], %add3A_184 {add = true} : memref<50000xf32, #tpu.memory_space<vmem>>[vector<16xi32>], vector<16xf32>,
      %get3A_189 = arith.constant 0 : i32
      %get3A_190 = arith.index_cast %get3A_189 : i32 to index
      %get3A_191 = arith.index_cast %mul3A_178 : i32 to index
      %get3A_192 = tpu.vector_load %arg7[%get3A_190, %get3A_191] {strides = array<i32>} : memref<2x2048xi32, #tpu.memory_space<vmem>>, vector<16xi32>,
      %neg3A_193 = arith.constant 0.000000e+00 : f32
      %neg3A_194 = vector.broadcast %neg3A_193 : f32 to vector<16xf32>
      %neg3A_195 = arith.subf %neg3A_194, %add3A_184 : vector<16xf32>
      tpu.vector_store_idx %arg6[%get3A_192], %neg3A_195 {add = true} : memref<50000xf32, #tpu.memory_space<vmem>>[vector<16xi32>], vector<16xf32>,
      %scan3A_196 = arith.constant 6 : i32
      %scan3A_197 = arith.addi %scan3A_72, %scan3A_196 : i32
      %mul3A_198 = arith.constant 16 : i32
      %mul3A_199 = arith.muli %scan3A_197, %mul3A_198 : i32
      %get3A_200 = arith.constant 0 : i32
      %get3A_201 = arith.index_cast %get3A_200 : i32 to index
      %get3A_202 = arith.index_cast %mul3A_199 : i32 to index
      %get3A_203 = tpu.vector_load %arg8[%get3A_201, %get3A_202] {strides = array<i32>} : memref<2x2048xf32, #tpu.memory_space<vmem>>, vector<16xf32>,
      %mul3A_204 = arith.mulf %get3A_203, %get3A_5 : vector<16xf32>
      %add3A_205 = arith.addf %mul3A_204, %get3A_7 : vector<16xf32>
      %get3A_206 = arith.constant 1 : i32
      %get3A_207 = arith.index_cast %get3A_206 : i32 to index
      %get3A_208 = arith.index_cast %mul3A_199 : i32 to index
      %get3A_209 = tpu.vector_load %arg7[%get3A_207, %get3A_208] {strides = array<i32>} : memref<2x2048xi32, #tpu.memory_space<vmem>>, vector<16xi32>,
      tpu.vector_store_idx %arg6[%get3A_209], %add3A_205 {add = true} : memref<50000xf32, #tpu.memory_space<vmem>>[vector<16xi32>], vector<16xf32>,
      %get3A_210 = arith.constant 0 : i32
      %get3A_211 = arith.index_cast %get3A_210 : i32 to index
      %get3A_212 = arith.index_cast %mul3A_199 : i32 to index
      %get3A_213 = tpu.vector_load %arg7[%get3A_211, %get3A_212] {strides = array<i32>} : memref<2x2048xi32, #tpu.memory_space<vmem>>, vector<16xi32>,
      %neg3A_214 = arith.constant 0.000000e+00 : f32
      %neg3A_215 = vector.broadcast %neg3A_214 : f32 to vector<16xf32>
      %neg3A_216 = arith.subf %neg3A_215, %add3A_205 : vector<16xf32>
      tpu.vector_store_idx %arg6[%get3A_213], %neg3A_216 {add = true} : memref<50000xf32, #tpu.memory_space<vmem>>[vector<16xi32>], vector<16xf32>,
      %scan3A_217 = arith.constant 7 : i32
      %scan3A_218 = arith.addi %scan3A_72, %scan3A_217 : i32
      %mul3A_219 = arith.constant 16 : i32
      %mul3A_220 = arith.muli %scan3A_218, %mul3A_219 : i32
      %get3A_221 = arith.constant 0 : i32
      %get3A_222 = arith.index_cast %get3A_221 : i32 to index
      %get3A_223 = arith.index_cast %mul3A_220 : i32 to index
      %get3A_224 = tpu.vector_load %arg8[%get3A_222, %get3A_223] {strides = array<i32>} : memref<2x2048xf32, #tpu.memory_space<vmem>>, vector<16xf32>,
      %mul3A_225 = arith.mulf %get3A_224, %get3A_5 : vector<16xf32>
      %add3A_226 = arith.addf %mul3A_225, %get3A_7 : vector<16xf32>
      %get3A_227 = arith.constant 1 : i32
      %get3A_228 = arith.index_cast %get3A_227 : i32 to index
      %get3A_229 = arith.index_cast %mul3A_220 : i32 to index
      %get3A_230 = tpu.vector_load %arg7[%get3A_228, %get3A_229] {strides = array<i32>} : memref<2x2048xi32, #tpu.memory_space<vmem>>, vector<16xi32>,
      tpu.vector_store_idx %arg6[%get3A_230], %add3A_226 {add = true} : memref<50000xf32, #tpu.memory_space<vmem>>[vector<16xi32>], vector<16xf32>,
      %get3A_231 = arith.constant 0 : i32
      %get3A_232 = arith.index_cast %get3A_231 : i32 to index
      %get3A_233 = arith.index_cast %mul3A_220 : i32 to index
      %get3A_234 = tpu.vector_load %arg7[%get3A_232, %get3A_233] {strides = array<i32>} : memref<2x2048xi32, #tpu.memory_space<vmem>>, vector<16xi32>,
      %neg3A_235 = arith.constant 0.000000e+00 : f32
      %neg3A_236 = vector.broadcast %neg3A_235 : f32 to vector<16xf32>
      %neg3A_237 = arith.subf %neg3A_236, %add3A_226 : vector<16xf32>
      tpu.vector_store_idx %arg6[%get3A_234], %neg3A_237 {add = true} : memref<50000xf32, #tpu.memory_space<vmem>>[vector<16xi32>], vector<16xf32>,
    }
    %scan3A_69 = arith.constant 48 : i32
    %lt3A = arith.constant 20 : i32
    %lt3A_70 = arith.cmpi slt, %add3A, %lt3A : i32
    %convert_element_type3A = arith.extui %lt3A_70 : i1 to i32
    %cond3A = arith.constant 0 : i32
    %cond3A_71 = arith.cmpi ne, %convert_element_type3A, %cond3A : i32
    scf.if %cond3A_71 {
      %add3A_72 = arith.constant 384 : i32
      %add3A_73 = arith.addi %add3A_4, %add3A_72 : i32
      %add3A_74 = arith.constant 6 : i32
      %add3A_75 = arith.addi %add3A_73, %add3A_74 : i32
      %mul3A_76 = arith.constant 128 : i32
      %mul3A_77 = arith.muli %add3A_75, %mul3A_76 : i32
      "tpu.region"() ({
        %run_scoped3A = tpu.sem_alloc : memref<!tpu.dma_semaphore, #tpu.memory_space<semaphore_mem>>
        %dma_start3A_239 = arith.constant 0 : i32
        %dma_start3A_240 = arith.constant 0 : i32
        %dma_start3A_241 = tpu.memref_slice %arg9[%dma_start3A_239, %dma_start3A_240] : memref<2x2048xi32, #tpu.memory_space<vmem>> -> memref<2x128xi32, #tpu.memory_space<vmem>>
        %dma_start3A_242 = arith.constant 0 : i32
        %dma_start3A_243 = tpu.memref_slice %arg2[%dma_start3A_242, %mul3A_77] : memref<2x1600000xi32, #tpu.memory_space<hbm>> -> memref<2x128xi32, #tpu.memory_space<hbm>>
        %dma_start3A_244 = arith.constant 0 : i32
        %dma_start3A_245 = arith.constant 0 : i32
        %dma_start3A_246 = tpu.memref_slice %arg9[%dma_start3A_244, %dma_start3A_245] : memref<2x2048xi32, #tpu.memory_space<vmem>> -> memref<2x128xi32, #tpu.memory_space<vmem>>
        %dma_start3A_247 = arith.constant 0 : i32
        %dma_start3A_248 = tpu.memref_slice %arg2[%dma_start3A_247, %mul3A_77] : memref<2x1600000xi32, #tpu.memory_space<hbm>> -> memref<2x128xi32, #tpu.memory_space<hbm>>
        tpu.enqueue_dma source(%dma_start3A_248 : memref<2x128xi32, #tpu.memory_space<hbm>>) target(%dma_start3A_246 : memref<2x128xi32, #tpu.memory_space<vmem>>) target_semaphore(%run_scoped3A : memref<!tpu.dma_semaphore, #tpu.memory_space<semaphore_mem>>)
        %dma_wait3A = arith.constant 0 : i32
        %dma_wait3A_249 = arith.constant 0 : i32
        %dma_wait3A_250 = tpu.memref_slice %arg9[%dma_wait3A, %dma_wait3A_249] : memref<2x2048xi32, #tpu.memory_space<vmem>> -> memref<2x128xi32, #tpu.memory_space<vmem>>
        %dma_wait3A_251 = arith.constant 0 : i32
        %dma_wait3A_252 = tpu.memref_slice %arg2[%dma_wait3A_251, %mul3A_77] : memref<2x1600000xi32, #tpu.memory_space<hbm>> -> memref<2x128xi32, #tpu.memory_space<hbm>>
        %dma_wait3A_253 = arith.constant 0 : i32
        %dma_wait3A_254 = arith.constant 0 : i32
        %dma_wait3A_255 = tpu.memref_slice %arg9[%dma_wait3A_253, %dma_wait3A_254] : memref<2x2048xi32, #tpu.memory_space<vmem>> -> memref<2x128xi32, #tpu.memory_space<vmem>>
        %dma_wait3A_256 = arith.constant 0 : i32
        %dma_wait3A_257 = tpu.memref_slice %arg2[%dma_wait3A_256, %mul3A_77] : memref<2x1600000xi32, #tpu.memory_space<hbm>> -> memref<2x128xi32, #tpu.memory_space<hbm>>
        tpu.wait_dma2 semaphore(%run_scoped3A : memref<!tpu.dma_semaphore, #tpu.memory_space<semaphore_mem>>) src(%dma_wait3A_257 : memref<2x128xi32, #tpu.memory_space<hbm>>) dst(%dma_wait3A_255 : memref<2x128xi32, #tpu.memory_space<vmem>>)
        tpu.yield
      }) : () -> ()
      "tpu.region"() ({
        %run_scoped3A = tpu.sem_alloc : memref<!tpu.dma_semaphore, #tpu.memory_space<semaphore_mem>>
        %dma_start3A_239 = arith.constant 0 : i32
        %dma_start3A_240 = arith.constant 0 : i32
        %dma_start3A_241 = tpu.memref_slice %arg10[%dma_start3A_239, %dma_start3A_240] : memref<2x2048xf32, #tpu.memory_space<vmem>> -> memref<2x128xf32, #tpu.memory_space<vmem>>
        %dma_start3A_242 = arith.constant 0 : i32
        %dma_start3A_243 = tpu.memref_slice %arg3[%dma_start3A_242, %mul3A_77] : memref<2x1600000xf32, #tpu.memory_space<hbm>> -> memref<2x128xf32, #tpu.memory_space<hbm>>
        %dma_start3A_244 = arith.constant 0 : i32
        %dma_start3A_245 = arith.constant 0 : i32
        %dma_start3A_246 = tpu.memref_slice %arg10[%dma_start3A_244, %dma_start3A_245] : memref<2x2048xf32, #tpu.memory_space<vmem>> -> memref<2x128xf32, #tpu.memory_space<vmem>>
        %dma_start3A_247 = arith.constant 0 : i32
        %dma_start3A_248 = tpu.memref_slice %arg3[%dma_start3A_247, %mul3A_77] : memref<2x1600000xf32, #tpu.memory_space<hbm>> -> memref<2x128xf32, #tpu.memory_space<hbm>>
        tpu.enqueue_dma source(%dma_start3A_248 : memref<2x128xf32, #tpu.memory_space<hbm>>) target(%dma_start3A_246 : memref<2x128xf32, #tpu.memory_space<vmem>>) target_semaphore(%run_scoped3A : memref<!tpu.dma_semaphore, #tpu.memory_space<semaphore_mem>>)
        %dma_wait3A = arith.constant 0 : i32
        %dma_wait3A_249 = arith.constant 0 : i32
        %dma_wait3A_250 = tpu.memref_slice %arg10[%dma_wait3A, %dma_wait3A_249] : memref<2x2048xf32, #tpu.memory_space<vmem>> -> memref<2x128xf32, #tpu.memory_space<vmem>>
        %dma_wait3A_251 = arith.constant 0 : i32
        %dma_wait3A_252 = tpu.memref_slice %arg3[%dma_wait3A_251, %mul3A_77] : memref<2x1600000xf32, #tpu.memory_space<hbm>> -> memref<2x128xf32, #tpu.memory_space<hbm>>
        %dma_wait3A_253 = arith.constant 0 : i32
        %dma_wait3A_254 = arith.constant 0 : i32
        %dma_wait3A_255 = tpu.memref_slice %arg10[%dma_wait3A_253, %dma_wait3A_254] : memref<2x2048xf32, #tpu.memory_space<vmem>> -> memref<2x128xf32, #tpu.memory_space<vmem>>
        %dma_wait3A_256 = arith.constant 0 : i32
        %dma_wait3A_257 = tpu.memref_slice %arg3[%dma_wait3A_256, %mul3A_77] : memref<2x1600000xf32, #tpu.memory_space<hbm>> -> memref<2x128xf32, #tpu.memory_space<hbm>>
        tpu.wait_dma2 semaphore(%run_scoped3A : memref<!tpu.dma_semaphore, #tpu.memory_space<semaphore_mem>>) src(%dma_wait3A_257 : memref<2x128xf32, #tpu.memory_space<hbm>>) dst(%dma_wait3A_255 : memref<2x128xf32, #tpu.memory_space<vmem>>)
        tpu.yield
      }) : () -> ()
      %scan3A_78 = arith.constant 0 : i32
      %scan3A_79 = arith.constant 0 : i32
      %mul3A_80 = arith.constant 16 : i32
      %mul3A_81 = arith.muli %scan3A_79, %mul3A_80 : i32
      %get3A_82 = arith.constant 0 : i32
      %get3A_83 = arith.index_cast %get3A_82 : i32 to index
      %get3A_84 = arith.index_cast %mul3A_81 : i32 to index
      %get3A_85 = tpu.vector_load %arg10[%get3A_83, %get3A_84] {strides = array<i32>} : memref<2x2048xf32, #tpu.memory_space<vmem>>, vector<16xf32>,
      %mul3A_86 = arith.mulf %get3A_85, %get3A_5 : vector<16xf32>
      %add3A_87 = arith.addf %mul3A_86, %get3A_7 : vector<16xf32>
      %get3A_88 = arith.constant 1 : i32
      %get3A_89 = arith.index_cast %get3A_88 : i32 to index
      %get3A_90 = arith.index_cast %mul3A_81 : i32 to index
      %get3A_91 = tpu.vector_load %arg9[%get3A_89, %get3A_90] {strides = array<i32>} : memref<2x2048xi32, #tpu.memory_space<vmem>>, vector<16xi32>,
      tpu.vector_store_idx %arg6[%get3A_91], %add3A_87 {add = true} : memref<50000xf32, #tpu.memory_space<vmem>>[vector<16xi32>], vector<16xf32>,
      %get3A_92 = arith.constant 0 : i32
      %get3A_93 = arith.index_cast %get3A_92 : i32 to index
      %get3A_94 = arith.index_cast %mul3A_81 : i32 to index
      %get3A_95 = tpu.vector_load %arg9[%get3A_93, %get3A_94] {strides = array<i32>} : memref<2x2048xi32, #tpu.memory_space<vmem>>, vector<16xi32>,
      %neg3A = arith.constant 0.000000e+00 : f32
      %neg3A_96 = vector.broadcast %neg3A : f32 to vector<16xf32>
      %neg3A_97 = arith.subf %neg3A_96, %add3A_87 : vector<16xf32>
      tpu.vector_store_idx %arg6[%get3A_95], %neg3A_97 {add = true} : memref<50000xf32, #tpu.memory_space<vmem>>[vector<16xi32>], vector<16xf32>,
      %scan3A_98 = arith.constant 1 : i32
      %mul3A_99 = arith.constant 16 : i32
      %mul3A_100 = arith.muli %scan3A_98, %mul3A_99 : i32
      %get3A_101 = arith.constant 0 : i32
      %get3A_102 = arith.index_cast %get3A_101 : i32 to index
      %get3A_103 = arith.index_cast %mul3A_100 : i32 to index
      %get3A_104 = tpu.vector_load %arg10[%get3A_102, %get3A_103] {strides = array<i32>} : memref<2x2048xf32, #tpu.memory_space<vmem>>, vector<16xf32>,
      %mul3A_105 = arith.mulf %get3A_104, %get3A_5 : vector<16xf32>
      %add3A_106 = arith.addf %mul3A_105, %get3A_7 : vector<16xf32>
      %get3A_107 = arith.constant 1 : i32
      %get3A_108 = arith.index_cast %get3A_107 : i32 to index
      %get3A_109 = arith.index_cast %mul3A_100 : i32 to index
      %get3A_110 = tpu.vector_load %arg9[%get3A_108, %get3A_109] {strides = array<i32>} : memref<2x2048xi32, #tpu.memory_space<vmem>>, vector<16xi32>,
      tpu.vector_store_idx %arg6[%get3A_110], %add3A_106 {add = true} : memref<50000xf32, #tpu.memory_space<vmem>>[vector<16xi32>], vector<16xf32>,
      %get3A_111 = arith.constant 0 : i32
      %get3A_112 = arith.index_cast %get3A_111 : i32 to index
      %get3A_113 = arith.index_cast %mul3A_100 : i32 to index
      %get3A_114 = tpu.vector_load %arg9[%get3A_112, %get3A_113] {strides = array<i32>} : memref<2x2048xi32, #tpu.memory_space<vmem>>, vector<16xi32>,
      %neg3A_115 = arith.constant 0.000000e+00 : f32
      %neg3A_116 = vector.broadcast %neg3A_115 : f32 to vector<16xf32>
      %neg3A_117 = arith.subf %neg3A_116, %add3A_106 : vector<16xf32>
      tpu.vector_store_idx %arg6[%get3A_114], %neg3A_117 {add = true} : memref<50000xf32, #tpu.memory_space<vmem>>[vector<16xi32>], vector<16xf32>,
      %scan3A_118 = arith.constant 2 : i32
      %mul3A_119 = arith.constant 16 : i32
      %mul3A_120 = arith.muli %scan3A_118, %mul3A_119 : i32
      %get3A_121 = arith.constant 0 : i32
      %get3A_122 = arith.index_cast %get3A_121 : i32 to index
      %get3A_123 = arith.index_cast %mul3A_120 : i32 to index
      %get3A_124 = tpu.vector_load %arg10[%get3A_122, %get3A_123] {strides = array<i32>} : memref<2x2048xf32, #tpu.memory_space<vmem>>, vector<16xf32>,
      %mul3A_125 = arith.mulf %get3A_124, %get3A_5 : vector<16xf32>
      %add3A_126 = arith.addf %mul3A_125, %get3A_7 : vector<16xf32>
      %get3A_127 = arith.constant 1 : i32
      %get3A_128 = arith.index_cast %get3A_127 : i32 to index
      %get3A_129 = arith.index_cast %mul3A_120 : i32 to index
      %get3A_130 = tpu.vector_load %arg9[%get3A_128, %get3A_129] {strides = array<i32>} : memref<2x2048xi32, #tpu.memory_space<vmem>>, vector<16xi32>,
      tpu.vector_store_idx %arg6[%get3A_130], %add3A_126 {add = true} : memref<50000xf32, #tpu.memory_space<vmem>>[vector<16xi32>], vector<16xf32>,
      %get3A_131 = arith.constant 0 : i32
      %get3A_132 = arith.index_cast %get3A_131 : i32 to index
      %get3A_133 = arith.index_cast %mul3A_120 : i32 to index
      %get3A_134 = tpu.vector_load %arg9[%get3A_132, %get3A_133] {strides = array<i32>} : memref<2x2048xi32, #tpu.memory_space<vmem>>, vector<16xi32>,
      %neg3A_135 = arith.constant 0.000000e+00 : f32
      %neg3A_136 = vector.broadcast %neg3A_135 : f32 to vector<16xf32>
      %neg3A_137 = arith.subf %neg3A_136, %add3A_126 : vector<16xf32>
      tpu.vector_store_idx %arg6[%get3A_134], %neg3A_137 {add = true} : memref<50000xf32, #tpu.memory_space<vmem>>[vector<16xi32>], vector<16xf32>,
      %scan3A_138 = arith.constant 3 : i32
      %mul3A_139 = arith.constant 16 : i32
      %mul3A_140 = arith.muli %scan3A_138, %mul3A_139 : i32
      %get3A_141 = arith.constant 0 : i32
      %get3A_142 = arith.index_cast %get3A_141 : i32 to index
      %get3A_143 = arith.index_cast %mul3A_140 : i32 to index
      %get3A_144 = tpu.vector_load %arg10[%get3A_142, %get3A_143] {strides = array<i32>} : memref<2x2048xf32, #tpu.memory_space<vmem>>, vector<16xf32>,
      %mul3A_145 = arith.mulf %get3A_144, %get3A_5 : vector<16xf32>
      %add3A_146 = arith.addf %mul3A_145, %get3A_7 : vector<16xf32>
      %get3A_147 = arith.constant 1 : i32
      %get3A_148 = arith.index_cast %get3A_147 : i32 to index
      %get3A_149 = arith.index_cast %mul3A_140 : i32 to index
      %get3A_150 = tpu.vector_load %arg9[%get3A_148, %get3A_149] {strides = array<i32>} : memref<2x2048xi32, #tpu.memory_space<vmem>>, vector<16xi32>,
      tpu.vector_store_idx %arg6[%get3A_150], %add3A_146 {add = true} : memref<50000xf32, #tpu.memory_space<vmem>>[vector<16xi32>], vector<16xf32>,
      %get3A_151 = arith.constant 0 : i32
      %get3A_152 = arith.index_cast %get3A_151 : i32 to index
      %get3A_153 = arith.index_cast %mul3A_140 : i32 to index
      %get3A_154 = tpu.vector_load %arg9[%get3A_152, %get3A_153] {strides = array<i32>} : memref<2x2048xi32, #tpu.memory_space<vmem>>, vector<16xi32>,
      %neg3A_155 = arith.constant 0.000000e+00 : f32
      %neg3A_156 = vector.broadcast %neg3A_155 : f32 to vector<16xf32>
      %neg3A_157 = arith.subf %neg3A_156, %add3A_146 : vector<16xf32>
      tpu.vector_store_idx %arg6[%get3A_154], %neg3A_157 {add = true} : memref<50000xf32, #tpu.memory_space<vmem>>[vector<16xi32>], vector<16xf32>,
      %scan3A_158 = arith.constant 4 : i32
      %mul3A_159 = arith.constant 16 : i32
      %mul3A_160 = arith.muli %scan3A_158, %mul3A_159 : i32
      %get3A_161 = arith.constant 0 : i32
      %get3A_162 = arith.index_cast %get3A_161 : i32 to index
      %get3A_163 = arith.index_cast %mul3A_160 : i32 to index
      %get3A_164 = tpu.vector_load %arg10[%get3A_162, %get3A_163] {strides = array<i32>} : memref<2x2048xf32, #tpu.memory_space<vmem>>, vector<16xf32>,
      %mul3A_165 = arith.mulf %get3A_164, %get3A_5 : vector<16xf32>
      %add3A_166 = arith.addf %mul3A_165, %get3A_7 : vector<16xf32>
      %get3A_167 = arith.constant 1 : i32
      %get3A_168 = arith.index_cast %get3A_167 : i32 to index
      %get3A_169 = arith.index_cast %mul3A_160 : i32 to index
      %get3A_170 = tpu.vector_load %arg9[%get3A_168, %get3A_169] {strides = array<i32>} : memref<2x2048xi32, #tpu.memory_space<vmem>>, vector<16xi32>,
      tpu.vector_store_idx %arg6[%get3A_170], %add3A_166 {add = true} : memref<50000xf32, #tpu.memory_space<vmem>>[vector<16xi32>], vector<16xf32>,
      %get3A_171 = arith.constant 0 : i32
      %get3A_172 = arith.index_cast %get3A_171 : i32 to index
      %get3A_173 = arith.index_cast %mul3A_160 : i32 to index
      %get3A_174 = tpu.vector_load %arg9[%get3A_172, %get3A_173] {strides = array<i32>} : memref<2x2048xi32, #tpu.memory_space<vmem>>, vector<16xi32>,
      %neg3A_175 = arith.constant 0.000000e+00 : f32
      %neg3A_176 = vector.broadcast %neg3A_175 : f32 to vector<16xf32>
      %neg3A_177 = arith.subf %neg3A_176, %add3A_166 : vector<16xf32>
      tpu.vector_store_idx %arg6[%get3A_174], %neg3A_177 {add = true} : memref<50000xf32, #tpu.memory_space<vmem>>[vector<16xi32>], vector<16xf32>,
      %scan3A_178 = arith.constant 5 : i32
      %mul3A_179 = arith.constant 16 : i32
      %mul3A_180 = arith.muli %scan3A_178, %mul3A_179 : i32
      %get3A_181 = arith.constant 0 : i32
      %get3A_182 = arith.index_cast %get3A_181 : i32 to index
      %get3A_183 = arith.index_cast %mul3A_180 : i32 to index
      %get3A_184 = tpu.vector_load %arg10[%get3A_182, %get3A_183] {strides = array<i32>} : memref<2x2048xf32, #tpu.memory_space<vmem>>, vector<16xf32>,
      %mul3A_185 = arith.mulf %get3A_184, %get3A_5 : vector<16xf32>
      %add3A_186 = arith.addf %mul3A_185, %get3A_7 : vector<16xf32>
      %get3A_187 = arith.constant 1 : i32
      %get3A_188 = arith.index_cast %get3A_187 : i32 to index
      %get3A_189 = arith.index_cast %mul3A_180 : i32 to index
      %get3A_190 = tpu.vector_load %arg9[%get3A_188, %get3A_189] {strides = array<i32>} : memref<2x2048xi32, #tpu.memory_space<vmem>>, vector<16xi32>,
      tpu.vector_store_idx %arg6[%get3A_190], %add3A_186 {add = true} : memref<50000xf32, #tpu.memory_space<vmem>>[vector<16xi32>], vector<16xf32>,
      %get3A_191 = arith.constant 0 : i32
      %get3A_192 = arith.index_cast %get3A_191 : i32 to index
      %get3A_193 = arith.index_cast %mul3A_180 : i32 to index
      %get3A_194 = tpu.vector_load %arg9[%get3A_192, %get3A_193] {strides = array<i32>} : memref<2x2048xi32, #tpu.memory_space<vmem>>, vector<16xi32>,
      %neg3A_195 = arith.constant 0.000000e+00 : f32
      %neg3A_196 = vector.broadcast %neg3A_195 : f32 to vector<16xf32>
      %neg3A_197 = arith.subf %neg3A_196, %add3A_186 : vector<16xf32>
      tpu.vector_store_idx %arg6[%get3A_194], %neg3A_197 {add = true} : memref<50000xf32, #tpu.memory_space<vmem>>[vector<16xi32>], vector<16xf32>,
      %scan3A_198 = arith.constant 6 : i32
      %mul3A_199 = arith.constant 16 : i32
      %mul3A_200 = arith.muli %scan3A_198, %mul3A_199 : i32
      %get3A_201 = arith.constant 0 : i32
      %get3A_202 = arith.index_cast %get3A_201 : i32 to index
      %get3A_203 = arith.index_cast %mul3A_200 : i32 to index
      %get3A_204 = tpu.vector_load %arg10[%get3A_202, %get3A_203] {strides = array<i32>} : memref<2x2048xf32, #tpu.memory_space<vmem>>, vector<16xf32>,
      %mul3A_205 = arith.mulf %get3A_204, %get3A_5 : vector<16xf32>
      %add3A_206 = arith.addf %mul3A_205, %get3A_7 : vector<16xf32>
      %get3A_207 = arith.constant 1 : i32
      %get3A_208 = arith.index_cast %get3A_207 : i32 to index
      %get3A_209 = arith.index_cast %mul3A_200 : i32 to index
      %get3A_210 = tpu.vector_load %arg9[%get3A_208, %get3A_209] {strides = array<i32>} : memref<2x2048xi32, #tpu.memory_space<vmem>>, vector<16xi32>,
      tpu.vector_store_idx %arg6[%get3A_210], %add3A_206 {add = true} : memref<50000xf32, #tpu.memory_space<vmem>>[vector<16xi32>], vector<16xf32>,
      %get3A_211 = arith.constant 0 : i32
      %get3A_212 = arith.index_cast %get3A_211 : i32 to index
      %get3A_213 = arith.index_cast %mul3A_200 : i32 to index
      %get3A_214 = tpu.vector_load %arg9[%get3A_212, %get3A_213] {strides = array<i32>} : memref<2x2048xi32, #tpu.memory_space<vmem>>, vector<16xi32>,
      %neg3A_215 = arith.constant 0.000000e+00 : f32
      %neg3A_216 = vector.broadcast %neg3A_215 : f32 to vector<16xf32>
      %neg3A_217 = arith.subf %neg3A_216, %add3A_206 : vector<16xf32>
      tpu.vector_store_idx %arg6[%get3A_214], %neg3A_217 {add = true} : memref<50000xf32, #tpu.memory_space<vmem>>[vector<16xi32>], vector<16xf32>,
      %scan3A_218 = arith.constant 7 : i32
      %mul3A_219 = arith.constant 16 : i32
      %mul3A_220 = arith.muli %scan3A_218, %mul3A_219 : i32
      %get3A_221 = arith.constant 0 : i32
      %get3A_222 = arith.index_cast %get3A_221 : i32 to index
      %get3A_223 = arith.index_cast %mul3A_220 : i32 to index
      %get3A_224 = tpu.vector_load %arg10[%get3A_222, %get3A_223] {strides = array<i32>} : memref<2x2048xf32, #tpu.memory_space<vmem>>, vector<16xf32>,
      %mul3A_225 = arith.mulf %get3A_224, %get3A_5 : vector<16xf32>
      %add3A_226 = arith.addf %mul3A_225, %get3A_7 : vector<16xf32>
      %get3A_227 = arith.constant 1 : i32
      %get3A_228 = arith.index_cast %get3A_227 : i32 to index
      %get3A_229 = arith.index_cast %mul3A_220 : i32 to index
      %get3A_230 = tpu.vector_load %arg9[%get3A_228, %get3A_229] {strides = array<i32>} : memref<2x2048xi32, #tpu.memory_space<vmem>>, vector<16xi32>,
      tpu.vector_store_idx %arg6[%get3A_230], %add3A_226 {add = true} : memref<50000xf32, #tpu.memory_space<vmem>>[vector<16xi32>], vector<16xf32>,
      %get3A_231 = arith.constant 0 : i32
      %get3A_232 = arith.index_cast %get3A_231 : i32 to index
      %get3A_233 = arith.index_cast %mul3A_220 : i32 to index
      %get3A_234 = tpu.vector_load %arg9[%get3A_232, %get3A_233] {strides = array<i32>} : memref<2x2048xi32, #tpu.memory_space<vmem>>, vector<16xi32>,
      %neg3A_235 = arith.constant 0.000000e+00 : f32
      %neg3A_236 = vector.broadcast %neg3A_235 : f32 to vector<16xf32>
      %neg3A_237 = arith.subf %neg3A_236, %add3A_226 : vector<16xf32>
      tpu.vector_store_idx %arg6[%get3A_234], %neg3A_237 {add = true} : memref<50000xf32, #tpu.memory_space<vmem>>[vector<16xi32>], vector<16xf32>,
      %scan3A_238 = arith.constant 8 : i32
    } else {
    }
    "tpu.region"() ({
      %run_scoped3A = tpu.sem_alloc : memref<!tpu.dma_semaphore, #tpu.memory_space<semaphore_mem>>
      %dma_start3A_72 = arith.constant 0 : i32
      %dma_start3A_73 = tpu.memref_slice %arg5[%add3A, %dma_start3A_72] : memref<32x50000xf32, #tpu.memory_space<hbm>> -> memref<1x50000xf32, #tpu.memory_space<hbm>>
      %dma_start3A_74 = tpu.memref_squeeze %dma_start3A_73 : memref<1x50000xf32, #tpu.memory_space<hbm>> -> memref<50000xf32, #tpu.memory_space<hbm>>
      %dma_start3A_75 = arith.constant 0 : i32
      %dma_start3A_76 = tpu.memref_slice %arg5[%add3A, %dma_start3A_75] : memref<32x50000xf32, #tpu.memory_space<hbm>> -> memref<1x50000xf32, #tpu.memory_space<hbm>>
      %dma_start3A_77 = tpu.memref_squeeze %dma_start3A_76 : memref<1x50000xf32, #tpu.memory_space<hbm>> -> memref<50000xf32, #tpu.memory_space<hbm>>
      tpu.enqueue_dma source(%arg6 : memref<50000xf32, #tpu.memory_space<vmem>>) target(%dma_start3A_77 : memref<50000xf32, #tpu.memory_space<hbm>>) target_semaphore(%run_scoped3A : memref<!tpu.dma_semaphore, #tpu.memory_space<semaphore_mem>>)
      %dma_wait3A = arith.constant 0 : i32
      %dma_wait3A_78 = tpu.memref_slice %arg5[%add3A, %dma_wait3A] : memref<32x50000xf32, #tpu.memory_space<hbm>> -> memref<1x50000xf32, #tpu.memory_space<hbm>>
      %dma_wait3A_79 = tpu.memref_squeeze %dma_wait3A_78 : memref<1x50000xf32, #tpu.memory_space<hbm>> -> memref<50000xf32, #tpu.memory_space<hbm>>
      %dma_wait3A_80 = arith.constant 0 : i32
      %dma_wait3A_81 = tpu.memref_slice %arg5[%add3A, %dma_wait3A_80] : memref<32x50000xf32, #tpu.memory_space<hbm>> -> memref<1x50000xf32, #tpu.memory_space<hbm>>
      %dma_wait3A_82 = tpu.memref_squeeze %dma_wait3A_81 : memref<1x50000xf32, #tpu.memory_space<hbm>> -> memref<50000xf32, #tpu.memory_space<hbm>>
      tpu.wait_dma2 semaphore(%run_scoped3A : memref<!tpu.dma_semaphore, #tpu.memory_space<semaphore_mem>>) src(%arg6 : memref<50000xf32, #tpu.memory_space<vmem>>) dst(%dma_wait3A_82 : memref<50000xf32, #tpu.memory_space<hbm>>)
      tpu.yield
    }) : () -> ()
    return
  }
}

module attributes {stable_mosaic.version = 14 : i64} {
  func.func @_fin_body(%arg0: memref<32x50000xf32, #tpu.memory_space<vmem>>, %arg1: memref<3x50000xf32, #tpu.memory_space<vmem>>, %arg2: memref<3x50000xf32, #tpu.memory_space<vmem>>, %arg3: memref<50000xf32, #tpu.memory_space<vmem>>, %arg4: memref<50000xf32, #tpu.memory_space<vmem>>, %arg5: memref<1xf32, #tpu.memory_space<vmem>>, %arg6: memref<1x1xf32, #tpu.memory_space<vmem>>) attributes {dimension_semantics = [], scalar_prefetch = 0 : i64, scratch_operands = 0 : i64, tpu.core_type = #tpu.core_type<tc>} {
    %get3A = arith.constant 0 : index
    %get3A_0 = arith.constant 0 : index
    %get3A_1 = vector.load %arg0[%get3A, %get3A_0] : memref<32x50000xf32, #tpu.memory_space<vmem>>, vector<32x50000xf32>
    %reduce_sum3A = arith.constant dense<0.000000e+00> : vector<50000xf32>
    %reduce_sum3A_2 = vector.multi_reduction <add>, %get3A_1, %reduce_sum3A [0] : vector<32x50000xf32> to vector<50000xf32>
    %get3A_3 = arith.constant 0 : index
    %get3A_4 = arith.constant 0 : index
    %get3A_5 = vector.load %arg1[%get3A_3, %get3A_4] : memref<3x50000xf32, #tpu.memory_space<vmem>>, vector<1x50000xf32>
    %get3A_6 = vector.shape_cast %get3A_5 : vector<1x50000xf32> to vector<50000xf32>
    %get3A_7 = arith.constant 0 : index
    %get3A_8 = arith.constant 0 : index
    %get3A_9 = vector.load %arg2[%get3A_7, %get3A_8] : memref<3x50000xf32, #tpu.memory_space<vmem>>, vector<1x50000xf32>
    %get3A_10 = vector.shape_cast %get3A_9 : vector<1x50000xf32> to vector<50000xf32>
    %sub3A = arith.subf %get3A_6, %get3A_10 : vector<50000xf32>
    %get3A_11 = arith.constant 0 : index
    %get3A_12 = vector.load %arg5[%get3A_11] : memref<1xf32, #tpu.memory_space<vmem>>, vector<1xf32>
    %get3A_13 = vector.extract %get3A_12[0] : f32 from vector<1xf32>
    %mul3A = vector.broadcast %get3A_13 : f32 to vector<50000xf32>
    %mul3A_14 = arith.mulf %sub3A, %mul3A : vector<50000xf32>
    %mul3A_15 = arith.constant 3.000000e+01 : f32
    %mul3A_16 = vector.broadcast %mul3A_15 : f32 to vector<50000xf32>
    %mul3A_17 = arith.mulf %mul3A_16, %reduce_sum3A_2 : vector<50000xf32>
    %sub3A_18 = arith.subf %mul3A_14, %mul3A_17 : vector<50000xf32>
    %get3A_19 = arith.constant 0 : index
    %get3A_20 = vector.load %arg3[%get3A_19] : memref<50000xf32, #tpu.memory_space<vmem>>, vector<50000xf32>
    %sub3A_21 = arith.subf %sub3A_18, %get3A_20 : vector<50000xf32>
    %get3A_22 = arith.constant 0 : index
    %get3A_23 = vector.load %arg4[%get3A_22] : memref<50000xf32, #tpu.memory_space<vmem>>, vector<50000xf32>
    %abs3A = math.absf %sub3A_21 : vector<50000xf32>
    %mul3A_24 = arith.mulf %get3A_23, %abs3A : vector<50000xf32>
    %reduce_sum3A_25 = vector.shape_cast %mul3A_24 : vector<50000xf32> to vector<1x50000xf32>
    %reduce_sum3A_26 = arith.constant dense<0.000000e+00> : vector<1xf32>
    %reduce_sum3A_27 = vector.multi_reduction <add>, %reduce_sum3A_25, %reduce_sum3A_26 [1] : vector<1x50000xf32> to vector<1xf32>
    %reduce_sum3A_28 = vector.shape_cast %reduce_sum3A_27 : vector<1xf32> to vector<1x1xf32>
    %reduce_sum3A_29 = vector.extract %reduce_sum3A_28[0, 0] : f32 from vector<1x1xf32>
    %div3A = arith.constant 1.600000e+01 : f32
    %div3A_30 = arith.divf %reduce_sum3A_29, %div3A : f32
    %reshape3A = vector.broadcast %div3A_30 : f32 to vector<1x1xf32>
    %swap3A = arith.constant 0 : index
    %swap3A_31 = arith.constant 0 : index
    %swap3A_32 = vector.load %arg6[%swap3A, %swap3A_31] : memref<1x1xf32, #tpu.memory_space<vmem>>, vector<1x1xf32>
    tpu.vector_store %arg6[%swap3A, %swap3A_31], %reshape3A {strides = array<i32>} : memref<1x1xf32, #tpu.memory_space<vmem>>, vector<1x1xf32>,
    return
  }
}

</mosaic_0001>

<sc_bundles>
// kernel: kernel.4.cloned.1.call-start
scs
__scs_entry_jumppad:
0x0: {  	(pc) =	sbr.rel $0x88, $3  }
0x1: {  	(tag) =	ssettag $0x0;
	lr =	simm.s32 $0x1  }
0x2: {  	[smem:$0x3F98] =	sst lr;
	_ =	strace $0xD0000000  }
0x3: {  	_ = 	snop  }
0x4: {  	_ = 	snop  }
0x5: {  	_ = 	snop  }
0x6: {  	_ = 	snop  }
0x7: {  	_ = 	snop  }
__scs_overlays_trampoline_lowered:
0x8: {  	[smem:$0x3FA7] =	sst s0  }
0x9: {  	[smem:$0x3FA8] =	sst s1  }
0xa: {  	[smem:$0x3FA9] =	sst s2  }
0xb: {  	[smem:$0x3FAA] =	sst s3  }
0xc: {  	[smem:$0x3FAB] =	sst s4  }
0xd: {  	[smem:$0x3FAC] =	sst s5  }
0xe: {  	[smem:$0x3FAD] =	sst s6  }
0xf: {  	[smem:$0x3FAE] =	sst s7  }
0x10: {  	[smem:$0x3FAF] =	sst s8  }
0x11: {  	[smem:$0x3FB0] =	sst s9;
	s0 =	simm.s32 @!p0 $0x0  }
0x12: {  	s1 =	sld [smem:$0x3F96];
	s0 =	simm.s32 @p0 $0x1  }
0x13: {  	[smem:$0x3FB1] =	sst s0;
	s0 =	simm.s32 @!p1 $0x0  }
0x14: {  	s2 =	sld [smem:$0x3F95];
	s0 =	simm.s32 @p1 $0x1  }
0x15: {  	[smem:$0x3FB2] =	sst s0;
	s0 =	simm.s32 @!p2 $0x0  }
0x16: {  	s3 =	sld [smem:$0x3FDB];
	s0 =	simm.s32 @p2 $0x1  }
0x17: {  	s4 =	simm.s32 $0x1BF5;
	[smem:$0x3FB4] =	sst s0  }
0x18: {  	s0 =	sld [smem:$0x3F97];
	_ =	swait.ge [sflag:s4], $0x0  }
0x19: {  	s7 =	sld [smem:$0x3F98]  }
0x1a: {  	s8 =	sadd.s32 $0xFFFFE003, lr  }
0x1b: {  	s9 =	sadd.s32 $0xFFFFFEF7, lr;
	s5 =	simm.s32 $0xFFFFFFFF;
	p2 =	slt.u32 s8, $0xFFFFF086  }
0x1c: {  	p1 =	slt.u32 s9, $0xF7A;
	s5 =	simm.s32 @!p2 $0x0  }
0x1d: {  	s5 =	simm.s32 @p1 $0x1;
	p0 =	seq.s32 s7, s2  }
0x1e: {  	s7 =	smul.u32 @!p0 $0xF7A, s2;
	p2 =	seq.s32 @!p0 s5, $0x0  }
0x1f: {  	s9 =	smul.u32 $0xF7A, s1;
	s8 =	simm.s32 @!p0 $0x1BF5;
	p2 =	por !p2, p0  }
0x20: {  	[sflag:s8] =	ssyncset.s32 @!p0 $0xFFFFF086;
	s6 =	sadd.s32 @!p0 s3, s7;
	s7 =	simm.s32 @!p0 $0x108  }
0x21: {  	s3 =	sadd.s32 s3, s9;
	s6 =	sadd.s32 @!p0 $0x88, s6;
	s7 =	simm.s32 @p2 $0x1082  }
0x22: {  	[simem:s7], [sflag:s8] =	dma.local @!p0 [hbm:s6], $0xF7A  }
0x23: {  	s9 =	sor.u32 $0xD0000000, s2;
	s6 =	simm.s32 $0x108;
	_ =	swait.ge @!p0 [sflag:s8], $0x0  }
0x24: {  	s3 =	sadd.s32 $0x88, s3;
	s6 =	simm.s32 @!p1 $0x1082;
	[sflag:s4] =	ssyncset.s32 $0xFFFFF086  }
0x25: {  	[simem:s6], [sflag:s4] =	dma.local [hbm:s3], $0xF7A  }
0x26: {  	[smem:$0x3F98] =	sst s1;
	(tag) =	ssettag s2;
	_ =	strace s9  }
0x27: {  	s1 =	sld [smem:$0x3FA8]  }
0x28: {  	s2 =	sld [smem:$0x3FA9]  }
0x29: {  	s4 =	sld [smem:$0x3FAB]  }
0x2a: {  	p0 =	seq.s32 s5, $0x0;
	s5 =	sld [smem:$0x3FAC]  }
0x2b: {  	s6 =	sld [smem:$0x3FAD]  }
0x2c: {  	s7 =	sld [smem:$0x3FAE]  }
0x2d: {  	s3 =	simm.s32 $0x108;
	s8 =	sld [smem:$0x3FAF]  }
0x2e: {  	s3 =	simm.s32 @!p0 $0x1082;
	s9 =	sld [smem:$0x3FB0]  }
0x2f: {  	lr =	sadd.s32 s0, s3;
	s0 =	sld [smem:$0x3FA7]  }
0x30: {  	s3 =	sld [smem:$0x3FAA]  }
0x31: {  	[smem:$0x3FB3] =	sst s10  }
0x32: {  	s10 =	sld [smem:$0x3FB1];
	_ =	sdelay $0x3  }
0x33: {  	p0 =	seq.s32 s10, $0x1;
	s10 =	sld [smem:$0x3FB3];
	_ =	sdelay $0x3  }
0x34: {  	[smem:$0x3FB3] =	sst s10  }
0x35: {  	s10 =	sld [smem:$0x3FB2];
	_ =	sdelay $0x3  }
0x36: {  	p1 =	seq.s32 s10, $0x1;
	s10 =	sld [smem:$0x3FB3];
	_ =	sdelay $0x3  }
0x37: {  	[smem:$0x3FB3] =	sst s10  }
0x38: {  	s10 =	sld [smem:$0x3FB4]  }
0x39: {  	_ = 	snop;
	(pc) =	sbr.ind lr, $3  }
0x3a: {  	_ = 	snop  }
0x3b: {  	_ = 	snop  }
0x3c: {  	p2 =	seq.s32 s10, $0x1;
	s10 =	sld [smem:$0x3FB3]  }
0x3d: {  	_ =	shalt  }
0x3e: {  	_ =	shalt  }
0x3f: {  	_ =	shalt  }
0x40: {  	_ =	shalt  }
0x41: {  	_ =	shalt  }
0x42: {  	_ =	shalt  }
0x43: {  	_ =	shalt  }
0x44: {  	_ =	shalt  }
0x45: {  	_ =	shalt  }
0x46: {  	_ =	shalt  }
0x47: {  	_ =	shalt  }
0x48: {  	_ =	shalt  }
0x49: {  	_ =	shalt  }
0x4a: {  	_ =	shalt  }
0x4b: {  	_ =	shalt  }
0x4c: {  	_ =	shalt  }
0x4d: {  	_ =	shalt  }
0x4e: {  	_ =	shalt  }
0x4f: {  	_ =	shalt  }
0x50: {  	_ =	shalt  }
0x51: {  	_ =	shalt  }
0x52: {  	_ =	shalt  }
0x53: {  	_ =	shalt  }
0x54: {  	_ =	shalt  }
0x55: {  	_ =	shalt  }
0x56: {  	_ =	shalt  }
0x57: {  	_ =	shalt  }
0x58: {  	_ =	shalt  }
0x59: {  	_ =	shalt  }
0x5a: {  	_ =	shalt  }
0x5b: {  	_ =	shalt  }
0x5c: {  	_ =	shalt  }
0x5d: {  	_ =	shalt  }
0x5e: {  	_ =	shalt  }
0x5f: {  	_ =	shalt  }
0x60: {  	_ =	shalt  }
0x61: {  	_ =	shalt  }
0x62: {  	_ =	shalt  }
0x63: {  	_ =	shalt  }
0x64: {  	_ =	shalt  }
0x65: {  	_ =	shalt  }
0x66: {  	_ =	shalt  }
0x67: {  	_ =	shalt  }
0x68: {  	_ =	shalt  }
0x69: {  	_ =	shalt  }
0x6a: {  	_ =	shalt  }
0x6b: {  	_ =	shalt  }
0x6c: {  	_ =	shalt  }
0x6d: {  	_ =	shalt  }
0x6e: {  	_ =	shalt  }
0x6f: {  	_ =	shalt  }
0x70: {  	_ =	shalt  }
0x71: {  	_ =	shalt  }
0x72: {  	_ =	shalt  }
0x73: {  	_ =	shalt  }
0x74: {  	_ =	shalt  }
0x75: {  	_ =	shalt  }
0x76: {  	_ =	shalt  }
0x77: {  	_ =	shalt  }
0x78: {  	_ =	shalt  }
0x79: {  	_ =	shalt  }
0x7a: {  	_ =	shalt  }
0x7b: {  	_ =	shalt  }
0x7c: {  	_ =	shalt  }
0x7d: {  	_ =	shalt  }
0x7e: {  	_ =	shalt  }
0x7f: {  	_ =	shalt  }
0x80: {  	_ =	shalt  }
0x81: {  	_ =	shalt  }
0x82: {  	_ =	shalt  }
0x83: {  	_ =	shalt  }
0x84: {  	_ =	shalt  }
0x85: {  	_ =	shalt  }
0x86: {  	_ =	shalt  }
0x87: {  	_ =	shalt  }
.Lfunc_end0:
.L_simem_size_0:
called_computation_lowered:
.L_overlay_start_0:
0x88: {  	s2 =	sld [smem:$0x3FD9]  }
0x89: {  	s3 =	sld [smem:$0x3FFE];
	_ =	sdelay $0x1  }
0x8a: {  	s1 =	srdreg.scid  }
0x8b: {  	s0 =	sand.u32 $0x1, s1  }
0x8c: {  	s17 =	sshll.u32 s0, $0xA;
	s2 =	sadd.s32 s3, s2  }
0x8d: {  	s2 =	sadd.s32 s2, s17  }
0x8e: {  	[smem:$0x3FBF] =	sst s2  }
0x8f: {  	_ = 	snop  }
0x90: {  	s2 =	sld [smem:$0x3FC7]  }
0x91: {  	s18 =	sld [smem:$0x3FC2]  }
0x92: {  	s4 =	sld [smem:$0x3FD0];
	(tm) =	ssettm $0x1  }
0x93: {  	s5 =	sld [smem:$0x3FFB];
	_ =	sdelay $0x3  }
0x94: {  	_ =	strace s5  }
0x95: {  	s5 =	sld [smem:$0x3FFC];
	_ =	sdelay $0x3  }
0x96: {  	_ =	strace s5  }
0x97: {  	s5 =	sld [smem:$0x3FFD];
	_ =	sdelay $0x3  }
0x98: {  	_ =	strace s5  }
0x99: {  	_ =	strace $0x8FFFFFFF  }
0x9a: {  	s19 =	sld [smem:$0x3FDB];
	_ =	sdelay $0x1  }
0x9b: {  	s6 =	simm.s32 $_scs_section_size  }
0x9c: {  	s7 =	simm.s32 $_size__tile_overlayer_lowered;
	s8 =	simm.s32 $_tile_overlayer_lowered  }
0x9d: {  	s22 =	simm.s32 $0x1BFF;
	s21 =	sshll.u32 s8, $0x1;
	s5 =	sadd.s32 s6, s19  }
0x9e: {  	s9 =	simm.s32 $0x0;
	s20 =	sshll.u32 s7, $0x1;
	s7 =	sadd.s32 s21, s5  }
0x9f: {  	[timem:s9], [sflag:s22] =	dma.local [hbm:s7], s20  }
0xa0: {  	_ =	swait.ge [sflag:s22], s20  }
0xa1: {  	s6 =	ssub.s32 $0x0, s20;
	[sflag:s22] =	ssyncset.done $0x0  }
0xa2: {  	[sflag:s22] =	ssyncadd.s32 s6;
	_ =	sdelay $0x1  }
0xa3: {  	s23 =	simm.s32 $0x1B8B  }
0xa4: {  	_ =	swait.ge [sflag:s23], $0x1  }
0xa5: {  	[sflag:s23] =	ssyncset.done $0x0  }
0xa6: {  	s25 =	simm.s32 $0x1B8E;
	s24 =	sld [smem:$0x3FFE];
	[sflag:s23] =	ssyncadd.s32 $0xFFFFFFFF  }
0xa7: {  	s26 =	simm.s32 $execute0_lowered;
	[smem:$0x3FD2] =	sst s25  }
0xa8: {  	s7 =	sshll.u32 s26, $0x1;
	_ =	strace $0x80000046;
	[dreg:$0x1] =	wrdreg $0xFFFFFFFF  }
0xa9: {  	s28 =	simm.s32 $_size_execute0_lowered;
	s5 =	sadd.s32 s5, s7;
	[dreg:$0x0] =	wrdreg $0x0  }
0xaa: {  	s7 =	sshll.u32 s28, $0x1;
	[dreg:$0x2] =	wrdreg s5  }
0xab: {  	[dreg:$0x3] =	wrdreg s7  }
0xac: {  	[dreg:$0x4] =	wrdreg $0xC0  }
0xad: {  	_ =	task [dreg:s9], $0x5FFFF  }
0xae: {  	[dreg:$0x1] =	wrdreg $0xFFFFFFFF  }
0xaf: {  	[dreg:$0x0] =	wrdreg $0x60  }
0xb0: {  	[dreg:$0x2] =	wrdreg s18  }
0xb1: {  	[dreg:$0x3] =	wrdreg s2  }
0xb2: {  	[dreg:$0x4] =	wrdreg s4  }
0xb3: {  	[dreg:$0x5] =	wrdreg s24  }
0xb4: {  	[dreg:$0x6] =	wrdreg $0x9  }
0xb5: {  	_ =	task.clear_ibuf [dreg:s9], $0x7FFFF;
	_ =	strace $0x90000046  }
0xb6: {  	s29 =	simm.s32 $0x9;
	_ =	strace $0x80000048  }
0xb7: {  	_ =	swait.ge [sflag:s29], $0x1  }
0xb8: {  	[sflag:s29] =	ssyncadd.s32 $0xFFFFFFFF  }
0xb9: {  	_ =	strace $0x90000048  }
0xba: {  	_ =	sfence  }
0xbb: {  	s30 =	sld [smem:$0x0];
	_ =	sdelay $0x2  }
0xbc: {  	s31 =	sshll.u32 s1, $0xD;
	s1 =	sshrl.u32 s1, $0x2  }
0xbd: {  	s3 =	sand.u32 $0x4000, s31;
	s1 =	sadd.s32 s1, s30  }
0xbe: {  	s0 =	sor.u32 s3, s0;
	s1 =	sshll.u32 s1, $0x11  }
0xbf: {  	s0 =	sor.u32 s1, s0  }
0xc0: {  	s0 =	sadd.s32 $0x8F2B, s0  }
0xc1: {  	[sflag:s0] =	ssyncadd.remote.s32 $0x1  }
0xc2: {  	_ =	sfence.sel $0xFFFF  }
0xc3: {  	[dreg:$0x0] =	wrdreg $0xFFFFFFFF;
	(pc) =	sbr.abs _section_cstart, $3  }
0xc4: {  	[dreg:$0x1] =	wrdreg $0xFFFFFFFF  }
0xc5: {  	_ =	task.clear_ibuf [dreg:s9], $0x2FFFF;
	_ =	strace $0x9FFFFFFF  }
0xc6: {  	(tm) =	ssettm $0x7FFFFFFF  }
0xc7: {  	_ =	shalt  }
tec
execute0_lowered:
.L_overlay_start_1:
0x0: {  	(tag) =	ssettag $0x1  }
0x1: {  	s1 =	rddreg [dreg:$0x0]  }
0x2: {  	s3 =	rddreg [dreg:$0x1]  }
0x3: {  	s4 =	rddreg [dreg:$0x2]  }
0x4: {  	s0 =	rddreg [dreg:$0x3]  }
0x5: {  	s5 =	srdreg.scid;
	s2 =	stileid.u32  }
0x6: {  	s16 =	simm.s32 $0x10380;
	s17 =	simm.s32 $0x3;
	s18 =	simm.s32 $0xC380  }
0x7: {  	s19 =	simm.s32 $0xD380;
	s20 =	simm.s32 $0xE380;
	s21 =	simm.s32 $0xF380  }
0x8: {  	s22 =	simm.s32 $0x1;
	s23 =	simm.s32 $0x2;
	s24 =	simm.s32 $0x80  }
0x9: {  	s25 =	simm.s32 $0x400;
	s26 =	simm.s32 $0x0;
	s6 =	sand.u32 $0x1, s5  }
0xa: {  	s7 =	sshll.u32 s2, $0x1;
	s5 =	simm.s32 $0x0;
	s8 =	sshrl.u32 s2, $0x2  }
0xb: {  	p0 =	sgt.u32 s2, $0x9;
	s7 =	sor.u32 s6, s7;
	[smem:$0x7FF] =	sst s5  }
0xc: {  	s8 =	smul.u32 $0x61C00, s8;
	s6 =	ssub.s32 $0x2, s6;
	s9 =	sshll.u32 s7, $0x7  }
0xd: {  	_ =	strace $0x80000047;
	s10 =	smul.u32 $0x186, s7;
	s30 =	sshrl.u32 s6, $0x1  }
0xe: {  	s7 =	smin.u32 s7, $0x14;
	s9 =	sand.u32 $0x380, s9;
	s14 =	ssub.s32 s6, s30  }
0xf: {  	s8 =	sor.u32 s8, s9;
	s7 =	sadd.s32 s7, s10;
	s14 =	smax.u32 s14, $0x1  }
.Ltmp0:
0x10: {  	s8 =	sshrl.u32 s8, $0x3;
	s15 =	sshll.u32 s7, $0x5;
	(pc) =	sbr.rel .LBB2_1-.Ltmp0, $4  }
0x11: {  	s0 =	sadd.s32 s8, s0;
	s6 =	sadd.s32 s1, s15;
	s7 =	sadd.s32 s3, s15  }
0x12: {  	s31 =	sadd.s32 $0x3000, s15;
	s8 =	sadd.s32 $0x400, s15;
	s12 =	sadd.s32 $0x30C0, s15  }
0x13: {  	s15 =	sadd.s32 $0x200, s15;
	s9 =	sadd.s32 s1, s31;
	s10 =	sadd.s32 s3, s31  }
0x14: {  	v0 =	vimm.f32 $0.0e+00;
	s11 =	sadd.s32 s1, s12;
	s12 =	sadd.s32 s3, s12;
	s13 =	sadd.s32 $0x1000, s0  }
.LBB2_13:
0x15: {  	s26 =	sadd.s32 $0x1, s26  }
0x16: {  	p1 =	sne.s32 s26, s14  }
.Ltmp1:
0x17: {  	_ = 	snop;
	(pc) =	sbr.rel @!p1 .LBB2_14-.Ltmp1, $4  }
0x18: {  	[hbm4b:s13+s24] =	stream.strided.scatter [tilespmem:s5], [sflag:$0x3], $0xC380, s25, s24, $0x38;
	[tilespmem:$0x10400] =	vst v63  }
0x19: {  	_ =	swait.ge [sflag:s17], $0xC380  }
0x1a: {  	[sflag:s17] =	ssyncset.done $0x0  }
0x1b: {  	[sflag:s17] =	ssyncadd.s32 $0xFFFF3C80  }
.LBB2_1:
0x1c: {  	[tilespmem:s16], [sflag:$0x3] =	stream.linear.gather [hbm4b:s4+s5], $0x80, $0x38;
	[tilespmem:$0x10400] =	vst v63  }
0x1d: {  	_ =	swait.ge [sflag:s17], $0x80  }
0x1e: {  	[sflag:s17] =	ssyncset.done $0x0  }
0x1f: {  	[sflag:s17] =	ssyncadd.s32 $0xFFFFFF80  }
0x20: {  	s0 =	simm.s32 $0x40;
	v1 =	vld [tilespmem:$0x10380]  }
0x21: {  	v2 =	vld [tilespmem:$0x10390];
	[tilespmem:s0+$0xFFFFFFC0] =	vst v0  }
0x22: {  	[tilespmem:s0+$0x30] =	vst v0  }
0x23: {  	[tilespmem:s0+$0x20] =	vst v0  }
0x24: {  	[tilespmem:s0+$0x10] =	vst v0  }
0x25: {  	[tilespmem:s0+$0x0] =	vst v0  }
0x26: {  	[tilespmem:s0+$0xFFFFFFF0] =	vst v0  }
0x27: {  	s28 =	simm.s32 $0x0;
	[tilespmem:s0+$0xFFFFFFE0] =	vst v0  }
.LBB2_2:
0x28: {  	s28 =	sadd.s32 $0x8, s28;
	[tilespmem:s0+$0xFFFFFFD0] =	vst v0;
	s0 =	sadd.s32 $0x80, s0  }
0x29: {  	[tilespmem:s0+$0xFFFFFFC0] =	vst v0;
	p1 =	slt.u32 s28, $0xC28  }
0x2a: {  	[tilespmem:s0+$0x30] =	vst v0  }
.Ltmp2:
0x2b: {  	[tilespmem:s0+$0x20] =	vst v0;
	(pc) =	sbr.rel @p1 .LBB2_2-.Ltmp2, $4  }
0x2c: {  	[tilespmem:s0+$0x10] =	vst v0  }
0x2d: {  	[tilespmem:s0+$0x0] =	vst v0  }
0x2e: {  	[tilespmem:s0+$0xFFFFFFF0] =	vst v0  }
0x2f: {  	[tilespmem:s0+$0xFFFFFFE0] =	vst v0  }
0x30: {  	[tilespmem:s0+$0xFFFFFFD0] =	vst v0  }
0x31: {  	[tilespmem:$0xC300] =	vst v0  }
0x32: {  	[tilespmem:$0xC310] =	vst v0  }
0x33: {  	[tilespmem:$0xC320] =	vst v0  }
0x34: {  	[tilespmem:$0xC330] =	vst v0  }
0x35: {  	s28 =	simm.s32 $0x0;
	[tilespmem:$0xC340] =	vst v0  }
0x36: {  	[tilespmem:s18], [sflag:$0x1] =	stream.linear.gather [hbm4b:s6+s28], $0x1000, $0x38;
	[tilespmem:$0x10400] =	vst v63  }
0x37: {  	_ = 	snop  }
0x38: {  	[tilespmem:s19], [sflag:$0x1] =	stream.linear.gather [hbm4b:s7+s28], $0x1000, $0x38;
	[tilespmem:$0x10400] =	vst v63  }
.LBB2_4:
0x39: {  	s29 =	sshll.u32 s28, $0xA  }
0x3a: {  	s0 =	sadd.s32 s15, s29  }
0x3b: {  	s0 =	sand.u32 $0x1FFFFFE0, s0  }
0x3c: {  	s30 =	sadd.s32 s1, s0  }
0x3d: {  	[tilespmem:s20], [sflag:$0x2] =	stream.linear.gather [hbm4b:s30+s5], $0x1000, $0x38;
	[tilespmem:$0x10400] =	vst v63  }
0x3e: {  	s0 =	sadd.s32 s3, s0  }
0x3f: {  	[tilespmem:s21], [sflag:$0x2] =	stream.linear.gather [hbm4b:s0+s5], $0x1000, $0x38;
	[tilespmem:$0x10400] =	vst v63  }
0x40: {  	_ =	swait.ge [sflag:s22], $0x1000  }
0x41: {  	[sflag:s22] =	ssyncset.done $0x0  }
0x42: {  	[sflag:s22] =	ssyncadd.s32 $0xFFFFF000  }
0x43: {  	_ =	swait.ge [sflag:s22], $0x1000  }
0x44: {  	s31 =	simm.s32 $0xC400;
	[sflag:s22] =	ssyncset.done $0x0  }
0x45: {  	s30 =	simm.s32 $0xFFFFFFF8;
	s0 =	simm.s32 $0xD3C0;
	[sflag:s22] =	ssyncadd.s32 $0xFFFFF000  }
.LBB2_5:
0x46: {  	v3 =	vld [tilespmem:s0+$0xFFFFFFC0]  }
0x47: {  	v4 =	vld [tilespmem:s31+$0x0];
	_ =	sdelay $0x3  }
0x48: {  	v3 =	vmul.f32 v3, v1;
	_ =	sdelay $0x1  }
0x49: {  	v3 =	vadd.f32 v3, v2;
	_ =	sdelay $0x1  }
0x4a: {  	[tilespmem:v4+s5+$0x0] =	vst.idx.add.f32.msk $0xffff, v3  }
0x4b: {  	v4 =	vld [tilespmem:s31+$0xFFFFFF80];
	_ =	sdelay $0x5  }
0x4c: {  	v3 =	vsub.f32 $0.0e+00, v3;
	_ =	sdelay $0x1  }
0x4d: {  	[tilespmem:v4+s5+$0x0] =	vst.idx.add.f32.msk $0xffff, v3  }
0x4e: {  	v3 =	vld [tilespmem:s0+$0xFFFFFFD0]  }
0x4f: {  	v4 =	vld [tilespmem:s31+$0x10];
	_ =	sdelay $0x3  }
0x50: {  	v3 =	vmul.f32 v3, v1;
	_ =	sdelay $0x1  }
0x51: {  	v3 =	vadd.f32 v3, v2;
	_ =	sdelay $0x1  }
0x52: {  	[tilespmem:v4+s5+$0x0] =	vst.idx.add.f32.msk $0xffff, v3  }
0x53: {  	v4 =	vld [tilespmem:s31+$0xFFFFFF90];
	_ =	sdelay $0x5  }
0x54: {  	v3 =	vsub.f32 $0.0e+00, v3;
	_ =	sdelay $0x1  }
0x55: {  	[tilespmem:v4+s5+$0x0] =	vst.idx.add.f32.msk $0xffff, v3  }
0x56: {  	v3 =	vld [tilespmem:s0+$0xFFFFFFE0]  }
0x57: {  	v4 =	vld [tilespmem:s31+$0x20];
	_ =	sdelay $0x3  }
0x58: {  	v3 =	vmul.f32 v3, v1;
	_ =	sdelay $0x1  }
0x59: {  	v3 =	vadd.f32 v3, v2;
	_ =	sdelay $0x1  }
0x5a: {  	[tilespmem:v4+s5+$0x0] =	vst.idx.add.f32.msk $0xffff, v3  }
0x5b: {  	v4 =	vld [tilespmem:s31+$0xFFFFFFA0];
	_ =	sdelay $0x5  }
0x5c: {  	v3 =	vsub.f32 $0.0e+00, v3;
	_ =	sdelay $0x1  }
0x5d: {  	[tilespmem:v4+s5+$0x0] =	vst.idx.add.f32.msk $0xffff, v3  }
0x5e: {  	v3 =	vld [tilespmem:s0+$0xFFFFFFF0]  }
0x5f: {  	v4 =	vld [tilespmem:s31+$0x30];
	_ =	sdelay $0x3  }
0x60: {  	v3 =	vmul.f32 v3, v1;
	_ =	sdelay $0x1  }
0x61: {  	v3 =	vadd.f32 v3, v2;
	_ =	sdelay $0x1  }
0x62: {  	[tilespmem:v4+s5+$0x0] =	vst.idx.add.f32.msk $0xffff, v3  }
0x63: {  	v4 =	vld [tilespmem:s31+$0xFFFFFFB0];
	_ =	sdelay $0x5  }
0x64: {  	v3 =	vsub.f32 $0.0e+00, v3;
	_ =	sdelay $0x1  }
0x65: {  	[tilespmem:v4+s5+$0x0] =	vst.idx.add.f32.msk $0xffff, v3  }
0x66: {  	v3 =	vld [tilespmem:s0+$0x0]  }
0x67: {  	v4 =	vld [tilespmem:s31+$0x40];
	_ =	sdelay $0x3  }
0x68: {  	v3 =	vmul.f32 v3, v1;
	_ =	sdelay $0x1  }
0x69: {  	v3 =	vadd.f32 v3, v2;
	_ =	sdelay $0x1  }
0x6a: {  	[tilespmem:v4+s5+$0x0] =	vst.idx.add.f32.msk $0xffff, v3  }
0x6b: {  	v4 =	vld [tilespmem:s31+$0xFFFFFFC0];
	_ =	sdelay $0x5  }
0x6c: {  	v3 =	vsub.f32 $0.0e+00, v3;
	_ =	sdelay $0x1  }
0x6d: {  	[tilespmem:v4+s5+$0x0] =	vst.idx.add.f32.msk $0xffff, v3  }
0x6e: {  	v3 =	vld [tilespmem:s0+$0x10]  }
0x6f: {  	v4 =	vld [tilespmem:s31+$0x50];
	_ =	sdelay $0x3  }
0x70: {  	v3 =	vmul.f32 v3, v1;
	_ =	sdelay $0x1  }
0x71: {  	v3 =	vadd.f32 v3, v2;
	_ =	sdelay $0x1  }
0x72: {  	[tilespmem:v4+s5+$0x0] =	vst.idx.add.f32.msk $0xffff, v3  }
0x73: {  	v4 =	vld [tilespmem:s31+$0xFFFFFFD0];
	_ =	sdelay $0x5  }
0x74: {  	v3 =	vsub.f32 $0.0e+00, v3;
	_ =	sdelay $0x1  }
0x75: {  	[tilespmem:v4+s5+$0x0] =	vst.idx.add.f32.msk $0xffff, v3  }
0x76: {  	v3 =	vld [tilespmem:s0+$0x20]  }
0x77: {  	v4 =	vld [tilespmem:s31+$0x60];
	_ =	sdelay $0x3  }
0x78: {  	v3 =	vmul.f32 v3, v1;
	_ =	sdelay $0x1  }
0x79: {  	v3 =	vadd.f32 v3, v2;
	_ =	sdelay $0x1  }
0x7a: {  	[tilespmem:v4+s5+$0x0] =	vst.idx.add.f32.msk $0xffff, v3  }
0x7b: {  	v4 =	vld [tilespmem:s31+$0xFFFFFFE0];
	_ =	sdelay $0x5  }
0x7c: {  	v3 =	vsub.f32 $0.0e+00, v3;
	_ =	sdelay $0x1  }
0x7d: {  	[tilespmem:v4+s5+$0x0] =	vst.idx.add.f32.msk $0xffff, v3  }
0x7e: {  	v3 =	vld [tilespmem:s0+$0x30]  }
0x7f: {  	v4 =	vld [tilespmem:s31+$0x70];
	_ =	sdelay $0x3  }
0x80: {  	v3 =	vmul.f32 v3, v1;
	_ =	sdelay $0x1  }
0x81: {  	v3 =	vadd.f32 v3, v2;
	_ =	sdelay $0x1  }
0x82: {  	[tilespmem:v4+s5+$0x0] =	vst.idx.add.f32.msk $0xffff, v3  }
0x83: {  	v4 =	vld [tilespmem:s31+$0xFFFFFFF0];
	_ =	sdelay $0x1  }
0x84: {  	s30 =	sadd.s32 $0x8, s30  }
0x85: {  	p1 =	slt.u32 s30, $0x78  }
.Ltmp3:
0x86: {  	_ = 	snop;
	(pc) =	sbr.rel @p1 .LBB2_5-.Ltmp3, $3  }
0x87: {  	_ = 	snop  }
0x88: {  	v3 =	vsub.f32 $0.0e+00, v3;
	_ =	sdelay $0x1  }
0x89: {  	s0 =	sadd.s32 $0x100, s0;
	s31 =	sadd.s32 $0x100, s31;
	[tilespmem:v4+s5+$0x0] =	vst.idx.add.f32.msk $0xffff, v3  }
0x8a: {  	p1 =	seq.s32 s28, $0xB  }
0x8b: {  	s0 =	sadd.s32 @!p1 s29, s8  }
0x8c: {  	s30 =	simm.s32 @!p1 $0x0;
	s31 =	simm.s32 @!p1 $0xC380;
	s29 =	sadd.s32 @!p1 s1, s0  }
0x8d: {  	[tilespmem:s31], [sflag:$0x1] =	stream.linear.gather @!p1 [hbm4b:s29+s30], $0x1000, $0x38;
	[tilespmem:$0x10400] =	vst v63  }
0x8e: {  	s0 =	sadd.s32 @!p1 s3, s0;
	s29 =	simm.s32 @!p1 $0xD380  }
0x8f: {  	[tilespmem:s29], [sflag:$0x1] =	stream.linear.gather @!p1 [hbm4b:s0+s30], $0x1000, $0x38;
	[tilespmem:$0x10400] =	vst v63  }
0x90: {  	_ =	swait.ge [sflag:s23], $0x1000  }
0x91: {  	[sflag:s23] =	ssyncset.done $0x0  }
0x92: {  	[sflag:s23] =	ssyncadd.s32 $0xFFFFF000  }
0x93: {  	_ =	swait.ge [sflag:s23], $0x1000  }
0x94: {  	s29 =	simm.s32 $0xFFFFFFF8;
	[sflag:s23] =	ssyncset.done $0x0  }
0x95: {  	s30 =	simm.s32 $0xE400;
	s0 =	simm.s32 $0xF3C0;
	[sflag:s23] =	ssyncadd.s32 $0xFFFFF000  }
.LBB2_7:
0x96: {  	v3 =	vld [tilespmem:s0+$0xFFFFFFC0]  }
0x97: {  	v4 =	vld [tilespmem:s30+$0x0];
	_ =	sdelay $0x3  }
0x98: {  	v3 =	vmul.f32 v3, v1;
	_ =	sdelay $0x1  }
0x99: {  	v3 =	vadd.f32 v3, v2;
	_ =	sdelay $0x1  }
0x9a: {  	[tilespmem:v4+s5+$0x0] =	vst.idx.add.f32.msk $0xffff, v3  }
0x9b: {  	v4 =	vld [tilespmem:s30+$0xFFFFFF80];
	_ =	sdelay $0x5  }
0x9c: {  	v3 =	vsub.f32 $0.0e+00, v3;
	_ =	sdelay $0x1  }
0x9d: {  	[tilespmem:v4+s5+$0x0] =	vst.idx.add.f32.msk $0xffff, v3  }
0x9e: {  	v3 =	vld [tilespmem:s0+$0xFFFFFFD0]  }
0x9f: {  	v4 =	vld [tilespmem:s30+$0x10];
	_ =	sdelay $0x3  }
0xa0: {  	v3 =	vmul.f32 v3, v1;
	_ =	sdelay $0x1  }
0xa1: {  	v3 =	vadd.f32 v3, v2;
	_ =	sdelay $0x1  }
0xa2: {  	[tilespmem:v4+s5+$0x0] =	vst.idx.add.f32.msk $0xffff, v3  }
0xa3: {  	v4 =	vld [tilespmem:s30+$0xFFFFFF90];
	_ =	sdelay $0x5  }
0xa4: {  	v3 =	vsub.f32 $0.0e+00, v3;
	_ =	sdelay $0x1  }
0xa5: {  	[tilespmem:v4+s5+$0x0] =	vst.idx.add.f32.msk $0xffff, v3  }
0xa6: {  	v3 =	vld [tilespmem:s0+$0xFFFFFFE0]  }
0xa7: {  	v4 =	vld [tilespmem:s30+$0x20];
	_ =	sdelay $0x3  }
0xa8: {  	v3 =	vmul.f32 v3, v1;
	_ =	sdelay $0x1  }
0xa9: {  	v3 =	vadd.f32 v3, v2;
	_ =	sdelay $0x1  }
0xaa: {  	[tilespmem:v4+s5+$0x0] =	vst.idx.add.f32.msk $0xffff, v3  }
0xab: {  	v4 =	vld [tilespmem:s30+$0xFFFFFFA0];
	_ =	sdelay $0x5  }
0xac: {  	v3 =	vsub.f32 $0.0e+00, v3;
	_ =	sdelay $0x1  }
0xad: {  	[tilespmem:v4+s5+$0x0] =	vst.idx.add.f32.msk $0xffff, v3  }
0xae: {  	v3 =	vld [tilespmem:s0+$0xFFFFFFF0]  }
0xaf: {  	v4 =	vld [tilespmem:s30+$0x30];
	_ =	sdelay $0x3  }
0xb0: {  	v3 =	vmul.f32 v3, v1;
	_ =	sdelay $0x1  }
0xb1: {  	v3 =	vadd.f32 v3, v2;
	_ =	sdelay $0x1  }
0xb2: {  	[tilespmem:v4+s5+$0x0] =	vst.idx.add.f32.msk $0xffff, v3  }
0xb3: {  	v4 =	vld [tilespmem:s30+$0xFFFFFFB0];
	_ =	sdelay $0x5  }
0xb4: {  	v3 =	vsub.f32 $0.0e+00, v3;
	_ =	sdelay $0x1  }
0xb5: {  	[tilespmem:v4+s5+$0x0] =	vst.idx.add.f32.msk $0xffff, v3  }
0xb6: {  	v3 =	vld [tilespmem:s0+$0x0]  }
0xb7: {  	v4 =	vld [tilespmem:s30+$0x40];
	_ =	sdelay $0x3  }
0xb8: {  	v3 =	vmul.f32 v3, v1;
	_ =	sdelay $0x1  }
0xb9: {  	v3 =	vadd.f32 v3, v2;
	_ =	sdelay $0x1  }
0xba: {  	[tilespmem:v4+s5+$0x0] =	vst.idx.add.f32.msk $0xffff, v3  }
0xbb: {  	v4 =	vld [tilespmem:s30+$0xFFFFFFC0];
	_ =	sdelay $0x5  }
0xbc: {  	v3 =	vsub.f32 $0.0e+00, v3;
	_ =	sdelay $0x1  }
0xbd: {  	[tilespmem:v4+s5+$0x0] =	vst.idx.add.f32.msk $0xffff, v3  }
0xbe: {  	v3 =	vld [tilespmem:s0+$0x10]  }
0xbf: {  	v4 =	vld [tilespmem:s30+$0x50];
	_ =	sdelay $0x3  }
0xc0: {  	v3 =	vmul.f32 v3, v1;
	_ =	sdelay $0x1  }
0xc1: {  	v3 =	vadd.f32 v3, v2;
	_ =	sdelay $0x1  }
0xc2: {  	[tilespmem:v4+s5+$0x0] =	vst.idx.add.f32.msk $0xffff, v3  }
0xc3: {  	v4 =	vld [tilespmem:s30+$0xFFFFFFD0];
	_ =	sdelay $0x5  }
0xc4: {  	v3 =	vsub.f32 $0.0e+00, v3;
	_ =	sdelay $0x1  }
0xc5: {  	[tilespmem:v4+s5+$0x0] =	vst.idx.add.f32.msk $0xffff, v3  }
0xc6: {  	v3 =	vld [tilespmem:s0+$0x20]  }
0xc7: {  	v4 =	vld [tilespmem:s30+$0x60];
	_ =	sdelay $0x3  }
0xc8: {  	v3 =	vmul.f32 v3, v1;
	_ =	sdelay $0x1  }
0xc9: {  	v3 =	vadd.f32 v3, v2;
	_ =	sdelay $0x1  }
0xca: {  	[tilespmem:v4+s5+$0x0] =	vst.idx.add.f32.msk $0xffff, v3  }
0xcb: {  	v4 =	vld [tilespmem:s30+$0xFFFFFFE0];
	_ =	sdelay $0x5  }
0xcc: {  	v3 =	vsub.f32 $0.0e+00, v3;
	_ =	sdelay $0x1  }
0xcd: {  	[tilespmem:v4+s5+$0x0] =	vst.idx.add.f32.msk $0xffff, v3  }
0xce: {  	v3 =	vld [tilespmem:s0+$0x30]  }
0xcf: {  	v4 =	vld [tilespmem:s30+$0x70];
	_ =	sdelay $0x3  }
0xd0: {  	v3 =	vmul.f32 v3, v1;
	_ =	sdelay $0x1  }
0xd1: {  	v3 =	vadd.f32 v3, v2;
	_ =	sdelay $0x1  }
0xd2: {  	[tilespmem:v4+s5+$0x0] =	vst.idx.add.f32.msk $0xffff, v3  }
0xd3: {  	v4 =	vld [tilespmem:s30+$0xFFFFFFF0];
	_ =	sdelay $0x1  }
0xd4: {  	s29 =	sadd.s32 $0x8, s29  }
0xd5: {  	p1 =	slt.u32 s29, $0x78  }
.Ltmp4:
0xd6: {  	_ = 	snop;
	(pc) =	sbr.rel @p1 .LBB2_7-.Ltmp4, $3  }
0xd7: {  	_ = 	snop  }
0xd8: {  	v3 =	vsub.f32 $0.0e+00, v3;
	_ =	sdelay $0x1  }
0xd9: {  	s0 =	sadd.s32 $0x100, s0;
	s30 =	sadd.s32 $0x100, s30;
	[tilespmem:v4+s5+$0x0] =	vst.idx.add.f32.msk $0xffff, v3  }
0xda: {  	s28 =	sadd.s32 $0x1, s28  }
0xdb: {  	p1 =	sne.s32 s28, $0xC  }
.Ltmp5:
0xdc: {  	_ = 	snop;
	(pc) =	sbr.rel @p1 .LBB2_4-.Ltmp5, $1  }
0xdd: {  	_ =	sdelay $0x3  }
0xde: {  	[tilespmem:s18], [sflag:$0x3] =	stream.linear.gather [hbm4b:s9+s5], $0x600, $0x38;
	[tilespmem:$0x10400] =	vst v63  }
0xdf: {  	_ =	swait.ge [sflag:s17], $0x600  }
0xe0: {  	[sflag:s17] =	ssyncset.done $0x0  }
0xe1: {  	[sflag:s17] =	ssyncadd.s32 $0xFFFFFA00  }
0xe2: {  	[tilespmem:s19], [sflag:$0x3] =	stream.linear.gather [hbm4b:s10+s5], $0x600, $0x38;
	[tilespmem:$0x10400] =	vst v63  }
0xe3: {  	_ =	swait.ge [sflag:s17], $0x600  }
0xe4: {  	s28 =	simm.s32 $0xFFFFFFF8;
	[sflag:s17] =	ssyncset.done $0x0  }
0xe5: {  	s29 =	simm.s32 $0xC400;
	s0 =	simm.s32 $0xD3C0;
	[sflag:s17] =	ssyncadd.s32 $0xFFFFFA00  }
.LBB2_10:
0xe6: {  	v3 =	vld [tilespmem:s0+$0xFFFFFFC0]  }
0xe7: {  	v4 =	vld [tilespmem:s29+$0x0];
	_ =	sdelay $0x3  }
0xe8: {  	v3 =	vmul.f32 v3, v1;
	_ =	sdelay $0x1  }
0xe9: {  	v3 =	vadd.f32 v3, v2;
	_ =	sdelay $0x1  }
0xea: {  	[tilespmem:v4+s5+$0x0] =	vst.idx.add.f32.msk $0xffff, v3  }
0xeb: {  	v4 =	vld [tilespmem:s29+$0xFFFFFF80];
	_ =	sdelay $0x5  }
0xec: {  	v3 =	vsub.f32 $0.0e+00, v3;
	_ =	sdelay $0x1  }
0xed: {  	[tilespmem:v4+s5+$0x0] =	vst.idx.add.f32.msk $0xffff, v3  }
0xee: {  	v3 =	vld [tilespmem:s0+$0xFFFFFFD0]  }
0xef: {  	v4 =	vld [tilespmem:s29+$0x10];
	_ =	sdelay $0x3  }
0xf0: {  	v3 =	vmul.f32 v3, v1;
	_ =	sdelay $0x1  }
0xf1: {  	v3 =	vadd.f32 v3, v2;
	_ =	sdelay $0x1  }
0xf2: {  	[tilespmem:v4+s5+$0x0] =	vst.idx.add.f32.msk $0xffff, v3  }
0xf3: {  	v4 =	vld [tilespmem:s29+$0xFFFFFF90];
	_ =	sdelay $0x5  }
0xf4: {  	v3 =	vsub.f32 $0.0e+00, v3;
	_ =	sdelay $0x1  }
0xf5: {  	[tilespmem:v4+s5+$0x0] =	vst.idx.add.f32.msk $0xffff, v3  }
0xf6: {  	v3 =	vld [tilespmem:s0+$0xFFFFFFE0]  }
0xf7: {  	v4 =	vld [tilespmem:s29+$0x20];
	_ =	sdelay $0x3  }
0xf8: {  	v3 =	vmul.f32 v3, v1;
	_ =	sdelay $0x1  }
0xf9: {  	v3 =	vadd.f32 v3, v2;
	_ =	sdelay $0x1  }
0xfa: {  	[tilespmem:v4+s5+$0x0] =	vst.idx.add.f32.msk $0xffff, v3  }
0xfb: {  	v4 =	vld [tilespmem:s29+$0xFFFFFFA0];
	_ =	sdelay $0x5  }
0xfc: {  	v3 =	vsub.f32 $0.0e+00, v3;
	_ =	sdelay $0x1  }
0xfd: {  	[tilespmem:v4+s5+$0x0] =	vst.idx.add.f32.msk $0xffff, v3  }
0xfe: {  	v3 =	vld [tilespmem:s0+$0xFFFFFFF0]  }
0xff: {  	v4 =	vld [tilespmem:s29+$0x30];
	_ =	sdelay $0x3  }
0x100: {  	v3 =	vmul.f32 v3, v1;
	_ =	sdelay $0x1  }
0x101: {  	v3 =	vadd.f32 v3, v2;
	_ =	sdelay $0x1  }
0x102: {  	[tilespmem:v4+s5+$0x0] =	vst.idx.add.f32.msk $0xffff, v3  }
0x103: {  	v4 =	vld [tilespmem:s29+$0xFFFFFFB0];
	_ =	sdelay $0x5  }
0x104: {  	v3 =	vsub.f32 $0.0e+00, v3;
	_ =	sdelay $0x1  }
0x105: {  	[tilespmem:v4+s5+$0x0] =	vst.idx.add.f32.msk $0xffff, v3  }
0x106: {  	v3 =	vld [tilespmem:s0+$0x0]  }
0x107: {  	v4 =	vld [tilespmem:s29+$0x40];
	_ =	sdelay $0x3  }
0x108: {  	v3 =	vmul.f32 v3, v1;
	_ =	sdelay $0x1  }
0x109: {  	v3 =	vadd.f32 v3, v2;
	_ =	sdelay $0x1  }
0x10a: {  	[tilespmem:v4+s5+$0x0] =	vst.idx.add.f32.msk $0xffff, v3  }
0x10b: {  	v4 =	vld [tilespmem:s29+$0xFFFFFFC0];
	_ =	sdelay $0x5  }
0x10c: {  	v3 =	vsub.f32 $0.0e+00, v3;
	_ =	sdelay $0x1  }
0x10d: {  	[tilespmem:v4+s5+$0x0] =	vst.idx.add.f32.msk $0xffff, v3  }
0x10e: {  	v3 =	vld [tilespmem:s0+$0x10]  }
0x10f: {  	v4 =	vld [tilespmem:s29+$0x50];
	_ =	sdelay $0x3  }
0x110: {  	v3 =	vmul.f32 v3, v1;
	_ =	sdelay $0x1  }
0x111: {  	v3 =	vadd.f32 v3, v2;
	_ =	sdelay $0x1  }
0x112: {  	[tilespmem:v4+s5+$0x0] =	vst.idx.add.f32.msk $0xffff, v3  }
0x113: {  	v4 =	vld [tilespmem:s29+$0xFFFFFFD0];
	_ =	sdelay $0x5  }
0x114: {  	v3 =	vsub.f32 $0.0e+00, v3;
	_ =	sdelay $0x1  }
0x115: {  	[tilespmem:v4+s5+$0x0] =	vst.idx.add.f32.msk $0xffff, v3  }
0x116: {  	v3 =	vld [tilespmem:s0+$0x20]  }
0x117: {  	v4 =	vld [tilespmem:s29+$0x60];
	_ =	sdelay $0x3  }
0x118: {  	v3 =	vmul.f32 v3, v1;
	_ =	sdelay $0x1  }
0x119: {  	v3 =	vadd.f32 v3, v2;
	_ =	sdelay $0x1  }
0x11a: {  	[tilespmem:v4+s5+$0x0] =	vst.idx.add.f32.msk $0xffff, v3  }
0x11b: {  	v4 =	vld [tilespmem:s29+$0xFFFFFFE0];
	_ =	sdelay $0x5  }
0x11c: {  	v3 =	vsub.f32 $0.0e+00, v3;
	_ =	sdelay $0x1  }
0x11d: {  	[tilespmem:v4+s5+$0x0] =	vst.idx.add.f32.msk $0xffff, v3  }
0x11e: {  	v3 =	vld [tilespmem:s0+$0x30]  }
0x11f: {  	v4 =	vld [tilespmem:s29+$0x70];
	_ =	sdelay $0x3  }
0x120: {  	v3 =	vmul.f32 v3, v1;
	_ =	sdelay $0x1  }
0x121: {  	v3 =	vadd.f32 v3, v2;
	_ =	sdelay $0x1  }
0x122: {  	[tilespmem:v4+s5+$0x0] =	vst.idx.add.f32.msk $0xffff, v3  }
0x123: {  	v4 =	vld [tilespmem:s29+$0xFFFFFFF0];
	_ =	sdelay $0x1  }
0x124: {  	s28 =	sadd.s32 $0x8, s28  }
0x125: {  	p1 =	slt.u32 s28, $0x28  }
.Ltmp6:
0x126: {  	_ = 	snop;
	(pc) =	sbr.rel @p1 .LBB2_10-.Ltmp6, $3  }
0x127: {  	_ = 	snop  }
0x128: {  	v3 =	vsub.f32 $0.0e+00, v3;
	_ =	sdelay $0x1  }
0x129: {  	s0 =	sadd.s32 $0x100, s0;
	s29 =	sadd.s32 $0x100, s29;
	[tilespmem:v4+s5+$0x0] =	vst.idx.add.f32.msk $0xffff, v3  }
.Ltmp7:
0x12a: {  	(pc) =	sbr.rel @p0 .LBB2_13-.Ltmp7, $1  }
0x12b: {  	_ =	sdelay $0x3  }
0x12c: {  	[tilespmem:s20], [sflag:$0x3] =	stream.linear.gather [hbm4b:s11+s5], $0x100, $0x38;
	[tilespmem:$0x10400] =	vst v63  }
0x12d: {  	_ =	swait.ge [sflag:s17], $0x100  }
0x12e: {  	[sflag:s17] =	ssyncset.done $0x0  }
0x12f: {  	[sflag:s17] =	ssyncadd.s32 $0xFFFFFF00  }
0x130: {  	[tilespmem:s21], [sflag:$0x3] =	stream.linear.gather [hbm4b:s12+s5], $0x100, $0x38;
	[tilespmem:$0x10400] =	vst v63  }
0x131: {  	_ =	swait.ge [sflag:s17], $0x100  }
0x132: {  	[sflag:s17] =	ssyncset.done $0x0  }
0x133: {  	[sflag:s17] =	ssyncadd.s32 $0xFFFFFF00  }
0x134: {  	v3 =	vld [tilespmem:$0xF380]  }
0x135: {  	v4 =	vld [tilespmem:$0xE400];
	_ =	sdelay $0x3  }
0x136: {  	v3 =	vmul.f32 v3, v1;
	_ =	sdelay $0x1  }
0x137: {  	v3 =	vadd.f32 v3, v2;
	_ =	sdelay $0x1  }
0x138: {  	[tilespmem:v4+s5+$0x0] =	vst.idx.add.f32.msk $0xffff, v3  }
0x139: {  	v4 =	vld [tilespmem:$0xE380];
	_ =	sdelay $0x5  }
0x13a: {  	v3 =	vsub.f32 $0.0e+00, v3;
	_ =	sdelay $0x1  }
0x13b: {  	[tilespmem:v4+s5+$0x0] =	vst.idx.add.f32.msk $0xffff, v3  }
0x13c: {  	v3 =	vld [tilespmem:$0xF390]  }
0x13d: {  	v4 =	vld [tilespmem:$0xE410];
	_ =	sdelay $0x3  }
0x13e: {  	v3 =	vmul.f32 v3, v1;
	_ =	sdelay $0x1  }
0x13f: {  	v3 =	vadd.f32 v3, v2;
	_ =	sdelay $0x1  }
0x140: {  	[tilespmem:v4+s5+$0x0] =	vst.idx.add.f32.msk $0xffff, v3  }
0x141: {  	v4 =	vld [tilespmem:$0xE390];
	_ =	sdelay $0x5  }
0x142: {  	v3 =	vsub.f32 $0.0e+00, v3;
	_ =	sdelay $0x1  }
0x143: {  	[tilespmem:v4+s5+$0x0] =	vst.idx.add.f32.msk $0xffff, v3  }
0x144: {  	v3 =	vld [tilespmem:$0xF3A0]  }
0x145: {  	v4 =	vld [tilespmem:$0xE420];
	_ =	sdelay $0x3  }
0x146: {  	v3 =	vmul.f32 v3, v1;
	_ =	sdelay $0x1  }
0x147: {  	v3 =	vadd.f32 v3, v2;
	_ =	sdelay $0x1  }
0x148: {  	[tilespmem:v4+s5+$0x0] =	vst.idx.add.f32.msk $0xffff, v3  }
0x149: {  	v4 =	vld [tilespmem:$0xE3A0];
	_ =	sdelay $0x5  }
0x14a: {  	v3 =	vsub.f32 $0.0e+00, v3;
	_ =	sdelay $0x1  }
0x14b: {  	[tilespmem:v4+s5+$0x0] =	vst.idx.add.f32.msk $0xffff, v3  }
0x14c: {  	v3 =	vld [tilespmem:$0xF3B0]  }
0x14d: {  	v4 =	vld [tilespmem:$0xE430];
	_ =	sdelay $0x3  }
0x14e: {  	v3 =	vmul.f32 v3, v1;
	_ =	sdelay $0x1  }
0x14f: {  	v3 =	vadd.f32 v3, v2;
	_ =	sdelay $0x1  }
0x150: {  	[tilespmem:v4+s5+$0x0] =	vst.idx.add.f32.msk $0xffff, v3  }
0x151: {  	v4 =	vld [tilespmem:$0xE3B0];
	_ =	sdelay $0x5  }
0x152: {  	v3 =	vsub.f32 $0.0e+00, v3;
	_ =	sdelay $0x1  }
0x153: {  	[tilespmem:v4+s5+$0x0] =	vst.idx.add.f32.msk $0xffff, v3  }
0x154: {  	v3 =	vld [tilespmem:$0xF3C0]  }
0x155: {  	v4 =	vld [tilespmem:$0xE440];
	_ =	sdelay $0x3  }
0x156: {  	v3 =	vmul.f32 v3, v1;
	_ =	sdelay $0x1  }
0x157: {  	v3 =	vadd.f32 v3, v2;
	_ =	sdelay $0x1  }
0x158: {  	[tilespmem:v4+s5+$0x0] =	vst.idx.add.f32.msk $0xffff, v3  }
0x159: {  	v4 =	vld [tilespmem:$0xE3C0];
	_ =	sdelay $0x5  }
0x15a: {  	v3 =	vsub.f32 $0.0e+00, v3;
	_ =	sdelay $0x1  }
0x15b: {  	[tilespmem:v4+s5+$0x0] =	vst.idx.add.f32.msk $0xffff, v3  }
0x15c: {  	v3 =	vld [tilespmem:$0xF3D0]  }
0x15d: {  	v4 =	vld [tilespmem:$0xE450];
	_ =	sdelay $0x3  }
0x15e: {  	v3 =	vmul.f32 v3, v1;
	_ =	sdelay $0x1  }
0x15f: {  	v3 =	vadd.f32 v3, v2;
	_ =	sdelay $0x1  }
0x160: {  	[tilespmem:v4+s5+$0x0] =	vst.idx.add.f32.msk $0xffff, v3  }
0x161: {  	v4 =	vld [tilespmem:$0xE3D0];
	_ =	sdelay $0x5  }
0x162: {  	v3 =	vsub.f32 $0.0e+00, v3;
	_ =	sdelay $0x1  }
0x163: {  	[tilespmem:v4+s5+$0x0] =	vst.idx.add.f32.msk $0xffff, v3  }
0x164: {  	v3 =	vld [tilespmem:$0xF3E0]  }
0x165: {  	v4 =	vld [tilespmem:$0xE460];
	_ =	sdelay $0x3  }
0x166: {  	v3 =	vmul.f32 v3, v1;
	_ =	sdelay $0x1  }
0x167: {  	v3 =	vadd.f32 v3, v2;
	_ =	sdelay $0x1  }
0x168: {  	[tilespmem:v4+s5+$0x0] =	vst.idx.add.f32.msk $0xffff, v3  }
0x169: {  	v4 =	vld [tilespmem:$0xE3E0];
	_ =	sdelay $0x5  }
0x16a: {  	v3 =	vsub.f32 $0.0e+00, v3;
	_ =	sdelay $0x1  }
0x16b: {  	[tilespmem:v4+s5+$0x0] =	vst.idx.add.f32.msk $0xffff, v3  }
0x16c: {  	v3 =	vld [tilespmem:$0xF3F0]  }
0x16d: {  	v4 =	vld [tilespmem:$0xE470];
	_ =	sdelay $0x3  }
0x16e: {  	v1 =	vmul.f32 v3, v1;
	_ =	sdelay $0x1  }
0x16f: {  	v1 =	vadd.f32 v1, v2;
	_ =	sdelay $0x1  }
0x170: {  	[tilespmem:v4+s5+$0x0] =	vst.idx.add.f32.msk $0xffff, v1  }
0x171: {  	v2 =	vld [tilespmem:$0xE3F0];
	_ =	sdelay $0x3  }
.Ltmp8:
0x172: {  	_ = 	snop;
	(pc) =	sbr.rel .LBB2_13-.Ltmp8, $3  }
0x173: {  	_ = 	snop  }
0x174: {  	v1 =	vsub.f32 $0.0e+00, v1;
	_ =	sdelay $0x1  }
0x175: {  	[tilespmem:v2+s5+$0x0] =	vst.idx.add.f32.msk $0xffff, v1  }
.LBB2_14:
0x176: {  	_ =	sfence.sel $0x180000  }
0x177: {  	[bflag:$0x0] =	sbarrier.arrive $0xFFFF  }
0x178: {  	_ =	strace $0x90000047  }
0x179: {  	[bflag:$0x2] =	sbarrier.arrive $0xFFFF  }
0x17a: {  	p0 =	sne.s32 s2, $0x0;
	s0 =	rddreg [dreg:$0x4]  }
0x17b: {  	s0 =	sadd.s32 @!p0 $0x100000, s0  }
0x17c: {  	[sflag:s0] =	ssyncadd.tile.s32 @!p0 $0x1;
	_ =	shalt  }
.Lfunc_end2:
_tile_overlayer_lowered:
.L_overlay_start_2:
0x17d: {  	(tag) =	ssettag $0x2  }
0x17e: {  	s0 =	rddreg [dreg:$0x0];
	s2 =	stileid.u32  }
0x17f: {  	s1 =	rddreg [dreg:$0x1];
	p0 =	sne.s32 s2, $0x0  }
0x180: {  	s3 =	rddreg [dreg:$0x2];
	[bflag:$0x3] =	sbarrier.arrive $0xFFFF;
	s2 =	simm.s32 @!p0 $0x1C03  }
0x181: {  	[timem:s3], [sflag:s2] =	dma.local @!p0 [hbm:s0], s1  }
0x182: {  	s0 =	simm.s32 @!p0 $0x3  }
0x183: {  	_ =	swait.ge @!p0 [sflag:s0], s1  }
0x184: {  	s1 =	ssub.s32 @!p0 $0x0, s1;
	[sflag:s0] =	ssyncset.done @!p0 $0x0  }
0x185: {  	[sflag:s0] =	ssyncadd.s32 @!p0 s1  }
0x186: {  	[bflag:$0x3] =	sbarrier.arrive $0xFFFF  }
0x187: {  	_ =	shalt  }

</sc_bundles>
